<compile_context>
chip_gen: v7x
topology: tpu7x:2x2x1
jax: 0.10.2.dev20260603
libtpu: 0.0.44.dev20260713+nightly
codegen_flags: <defaults>
</compile_context>

<pallas_src>
import functools

import jax
import jax.numpy as jnp
from jax import lax
from jax.experimental import pallas as pl
from jax.experimental.pallas import tpu as pltpu
from jax.experimental.pallas import tpu_sc as plsc

VOCAB = 100000
DIM = 64
BATCH = 1024
NB_WORDS = 200
B = BATCH * NB_WORDS

_info = plsc.get_sparse_core_info()
NC, NS = _info.num_cores, _info.num_subcores
NW = NC * NS
B_PER_W = B // NW
SUB = 128
NRING = 5
N_SUB = B_PER_W // SUB
N_GROUP = N_SUB // NRING


def _make_kernel():
    mesh = plsc.VectorSubcoreMesh(core_axis_name="c", subcore_axis_name="s")

    ring_buf = pltpu.VMEM((SUB, 2 * DIM), jnp.float32)

    @functools.partial(
        pl.kernel,
        mesh=mesh,
        out_type=jax.ShapeDtypeStruct((B, 2 * DIM), jnp.float32),
        compiler_params=pltpu.CompilerParams(use_tc_tiling_on_sc=False),
        scratch_types=(
            [pltpu.VMEM((B_PER_W,), jnp.int32)]
            + [ring_buf] * NRING
            + [pltpu.SemaphoreType.DMA] * NRING
            + [pltpu.SemaphoreType.DMA] * NRING
        ),
    )
    def emb_kernel(x_hbm, table_hbm, out_hbm, idx_all,
                   b0, b1, b2, b3, b4,
                   sg0, sg1, sg2, sg3, sg4,
                   so0, so1, so2, so3, so4):
        bufs = [b0, b1, b2, b3, b4]
        g_sems = [sg0, sg1, sg2, sg3, sg4]
        o_sems = [so0, so1, so2, so3, so4]

        wid = lax.axis_index("s") * NC + lax.axis_index("c")
        base = wid * B_PER_W
        pltpu.sync_copy(x_hbm.at[pl.ds(base, B_PER_W)], idx_all)

        def gather_desc(i, p):
            idx = idx_all.at[pl.ds(i * SUB, SUB)]
            return pltpu.make_async_copy(table_hbm.at[idx], bufs[p],
                                         g_sems[p])

        def out_desc(i, p):
            dst = out_hbm.at[pl.ds(base + i * SUB, SUB)]
            return pltpu.make_async_copy(bufs[p], dst, o_sems[p])


        gather_desc(0, 0).start()
        for b in range(NRING):
            if b + 1 >= NRING:
                out_desc(b - NRING + 1, (b + 1) % NRING).wait()
            gather_desc(b + 1, (b + 1) % NRING).start()
            gather_desc(b, b).wait()
            out_desc(b, b).start()

        @pl.loop(1, N_GROUP - 1)
        def _group(g):
            i0 = g * NRING
            for b in range(NRING):
                i = i0 + b
                q = (b + 1) % NRING
                out_desc(i - NRING + 1, q).wait()
                gather_desc(i + 1, q).start()
                gather_desc(i, b).wait()
                out_desc(i, b).start()

        i0 = (N_GROUP - 1) * NRING
        for b in range(NRING):
            i = i0 + b
            q = (b + 1) % NRING
            out_desc(i - NRING + 1, q).wait()
            if b + 1 < NRING:
                gather_desc(i + 1, q).start()
            gather_desc(i, b).wait()
            out_desc(i, b).start()
        for b in range(1, NRING):
            out_desc(i0 + b, b).wait()

    return emb_kernel


_emb = _make_kernel()

_VB = 8192


def _tc_concat_body(g_ref, r_ref, o_ref):
    eye = (lax.broadcasted_iota(jnp.int32, (DIM, DIM), 0)
           == lax.broadcasted_iota(jnp.int32, (DIM, DIM), 1)
           ).astype(jnp.float32)
    dn = (((0,), (0,)), ((), ()))
    o_ref[:, 0:DIM] = g_ref[...].T
    o_ref[:, DIM:2 * DIM] = lax.dot_general(r_ref[...], eye, dn,
                                            preferred_element_type=jnp.float32)


_tc_concat = pl.pallas_call(
    _tc_concat_body,
    grid=(pl.cdiv(VOCAB, _VB),),
    in_specs=[
        pl.BlockSpec((DIM, _VB), lambda i: (0, i)),
        pl.BlockSpec((DIM, _VB), lambda i: (0, i)),
    ],
    out_specs=pl.BlockSpec((_VB, 2 * DIM), lambda i: (i, 0)),
    out_shape=jax.ShapeDtypeStruct((VOCAB, 2 * DIM), jnp.float32),
)


@jax.jit
def kernel(x, glove_table, rand_table):
    comb = _tc_concat(glove_table.T, rand_table.T)
    x_flat = x.reshape(B).astype(jnp.int32)
    out = _emb(x_flat, comb)
    return out.reshape(BATCH, NB_WORDS, 2 * DIM)

# --- scband reference (transcript-rebuilt; emitter-appended) ---
"""Pipeline reference for scband-glove-emb-71012989272200 (READ-ONLY COPY).

The authoritative reference and input builder live on the scoring server;
editing this copy changes nothing except your own understanding.
"""

import jax, jax.numpy as jnp
import numpy as np

VOCAB = 100000
GLOVE_DIM = 64
RAND_DIM = 64
BATCH = 1024
NB_WORDS = 200


def setup_inputs(seed: int = 0) -> dict:
    key = jax.random.key(seed)
    k1, k2, k3 = jax.random.split(key, 3)
    x = jax.random.randint(k1, (BATCH, NB_WORDS), 0, VOCAB)
    glove_table = jax.random.normal(k2, (VOCAB, GLOVE_DIM), dtype=jnp.float32) * 0.02
    rand_table = jax.random.normal(k3, (VOCAB, RAND_DIM), dtype=jnp.float32) * 0.02
    return {"x": x, "glove_table": glove_table, "rand_table": rand_table}


def reference(x, glove_table, rand_table):
    # emb = self.glove(x)
    emb = jnp.take(glove_table, x, axis=0)
    # if add_rand_embed: emb2 = self.embed(x); emb = cat([emb, emb2], dim=2)
    emb2 = jnp.take(rand_table, x, axis=0)
    emb = jnp.concatenate([emb, emb2], axis=2)
    return emb

if __name__ == "__main__":
    import jax
    _d = setup_inputs()
    print(jax.jit(kernel)(*tuple(_d.values())))

</pallas_src>

<mosaic_0001>
#map = affine_map<(d0, d1) -> (0)>
#map1 = affine_map<(d0, d1) -> (0, 0)>
module attributes {stable_mosaic.version = 14 : i64} {
  func.func @emb_kernel(%arg0: i32, %arg1: i32, %arg2: memref<204800xi32, #tpu.memory_space<hbm>>, %arg3: memref<100000x128xf32, #tpu.memory_space<hbm>>, %arg4: memref<204800x128xf32, #tpu.memory_space<hbm>>, %arg5: memref<6400xi32, #tpu.memory_space<vmem>>, %arg6: memref<128x128xf32, #tpu.memory_space<vmem>>, %arg7: memref<128x128xf32, #tpu.memory_space<vmem>>, %arg8: memref<128x128xf32, #tpu.memory_space<vmem>>, %arg9: memref<128x128xf32, #tpu.memory_space<vmem>>, %arg10: memref<128x128xf32, #tpu.memory_space<vmem>>, %arg11: memref<!tpu.dma_semaphore, #tpu.memory_space<semaphore_mem>>, %arg12: memref<!tpu.dma_semaphore, #tpu.memory_space<semaphore_mem>>, %arg13: memref<!tpu.dma_semaphore, #tpu.memory_space<semaphore_mem>>, %arg14: memref<!tpu.dma_semaphore, #tpu.memory_space<semaphore_mem>>, %arg15: memref<!tpu.dma_semaphore, #tpu.memory_space<semaphore_mem>>, %arg16: memref<!tpu.dma_semaphore, #tpu.memory_space<semaphore_mem>>, %arg17: memref<!tpu.dma_semaphore, #tpu.memory_space<semaphore_mem>>, %arg18: memref<!tpu.dma_semaphore, #tpu.memory_space<semaphore_mem>>, %arg19: memref<!tpu.dma_semaphore, #tpu.memory_space<semaphore_mem>>, %arg20: memref<!tpu.dma_semaphore, #tpu.memory_space<semaphore_mem>>) attributes {dimension_semantics = [#tpu.dimension_semantics<core_parallel>, #tpu.dimension_semantics<subcore_parallel>], iteration_bounds = array<i64: 2, 16>, scalar_prefetch = 0 : i64, scratch_operands = 16 : i64, tpu.core_type = #tpu.core_type<sc_vector_subcore>, window_params = [{transform_indices = #map}, {transform_indices = #map1}, {transform_indices = #map1}]} {
    %mul3A = arith.constant 2 : i32
    %mul3A_0 = arith.muli %arg1, %mul3A : i32
    %add3A = arith.addi %mul3A_0, %arg0 : i32
    %mul3A_1 = arith.constant 6400 : i32
    %mul3A_2 = arith.muli %add3A, %mul3A_1 : i32
    "tpu.region"() ({
      %run_scoped3A = tpu.sem_alloc : memref<!tpu.dma_semaphore, #tpu.memory_space<semaphore_mem>>
      %dma_start3A_225 = tpu.memref_slice %arg2[%mul3A_2] : memref<204800xi32, #tpu.memory_space<hbm>> -> memref<6400xi32, #tpu.memory_space<hbm>>
      %dma_start3A_226 = tpu.memref_slice %arg2[%mul3A_2] : memref<204800xi32, #tpu.memory_space<hbm>> -> memref<6400xi32, #tpu.memory_space<hbm>>
      tpu.enqueue_dma source(%dma_start3A_226 : memref<6400xi32, #tpu.memory_space<hbm>>) target(%arg5 : memref<6400xi32, #tpu.memory_space<vmem>>) target_semaphore(%run_scoped3A : memref<!tpu.dma_semaphore, #tpu.memory_space<semaphore_mem>>)
      %dma_wait3A_227 = tpu.memref_slice %arg2[%mul3A_2] : memref<204800xi32, #tpu.memory_space<hbm>> -> memref<6400xi32, #tpu.memory_space<hbm>>
      %dma_wait3A_228 = tpu.memref_slice %arg2[%mul3A_2] : memref<204800xi32, #tpu.memory_space<hbm>> -> memref<6400xi32, #tpu.memory_space<hbm>>
      tpu.wait_dma2 semaphore(%run_scoped3A : memref<!tpu.dma_semaphore, #tpu.memory_space<semaphore_mem>>) src(%dma_wait3A_228 : memref<6400xi32, #tpu.memory_space<hbm>>) dst(%arg5 : memref<6400xi32, #tpu.memory_space<vmem>>)
      tpu.yield
    }) : () -> ()
    %dma_start3A = arith.constant 0 : i32
    %dma_start3A_3 = tpu.memref_slice %arg5[%dma_start3A] : memref<6400xi32, #tpu.memory_space<vmem>> -> memref<128xi32, #tpu.memory_space<vmem>>
    %dma_start3A_4 = arith.constant 0 : i32
    %dma_start3A_5 = arith.constant 0 : i32
    %dma_start3A_6 = tpu.memref_slice %arg3[%dma_start3A_4, %dma_start3A_5] : memref<100000x128xf32, #tpu.memory_space<hbm>> -> memref<100000x128xf32, #tpu.memory_space<hbm>>
    tpu.enqueue_indirect_dma source(%dma_start3A_6 : memref<100000x128xf32, #tpu.memory_space<hbm>>) target(%arg6 : memref<128x128xf32, #tpu.memory_space<vmem>>) offsets(%dma_start3A_3 : memref<128xi32, #tpu.memory_space<vmem>>) semaphore(%arg11 : memref<!tpu.dma_semaphore, #tpu.memory_space<semaphore_mem>>)
    %dma_start3A_7 = arith.constant 128 : i32
    %dma_start3A_8 = tpu.memref_slice %arg5[%dma_start3A_7] : memref<6400xi32, #tpu.memory_space<vmem>> -> memref<128xi32, #tpu.memory_space<vmem>>
    %dma_start3A_9 = arith.constant 0 : i32
    %dma_start3A_10 = arith.constant 0 : i32
    %dma_start3A_11 = tpu.memref_slice %arg3[%dma_start3A_9, %dma_start3A_10] : memref<100000x128xf32, #tpu.memory_space<hbm>> -> memref<100000x128xf32, #tpu.memory_space<hbm>>
    tpu.enqueue_indirect_dma source(%dma_start3A_11 : memref<100000x128xf32, #tpu.memory_space<hbm>>) target(%arg7 : memref<128x128xf32, #tpu.memory_space<vmem>>) offsets(%dma_start3A_8 : memref<128xi32, #tpu.memory_space<vmem>>) semaphore(%arg12 : memref<!tpu.dma_semaphore, #tpu.memory_space<semaphore_mem>>)
    %dma_wait3A = arith.constant 0 : i32
    %dma_wait3A_12 = tpu.memref_slice %arg5[%dma_wait3A] : memref<6400xi32, #tpu.memory_space<vmem>> -> memref<128xi32, #tpu.memory_space<vmem>>
    %dma_wait3A_13 = arith.constant 0 : i32
    %dma_wait3A_14 = arith.constant 0 : i32
    %dma_wait3A_15 = tpu.memref_slice %arg3[%dma_wait3A_13, %dma_wait3A_14] : memref<100000x128xf32, #tpu.memory_space<hbm>> -> memref<100000x128xf32, #tpu.memory_space<hbm>>
    tpu.wait_indirect_dma semaphore(%arg11 : memref<!tpu.dma_semaphore, #tpu.memory_space<semaphore_mem>>) src(%dma_wait3A_15 : memref<100000x128xf32, #tpu.memory_space<hbm>>) dst(%arg6 : memref<128x128xf32, #tpu.memory_space<vmem>>)
    %add3A_16 = arith.constant 0 : i32
    %add3A_17 = arith.addi %mul3A_2, %add3A_16 : i32
    %dma_start3A_18 = arith.constant 0 : i32
    %dma_start3A_19 = tpu.memref_slice %arg4[%add3A_17, %dma_start3A_18] : memref<204800x128xf32, #tpu.memory_space<hbm>> -> memref<128x128xf32, #tpu.memory_space<hbm>>
    %dma_start3A_20 = arith.constant 0 : i32
    %dma_start3A_21 = tpu.memref_slice %arg4[%add3A_17, %dma_start3A_20] : memref<204800x128xf32, #tpu.memory_space<hbm>> -> memref<128x128xf32, #tpu.memory_space<hbm>>
    tpu.enqueue_dma source(%arg6 : memref<128x128xf32, #tpu.memory_space<vmem>>) target(%dma_start3A_21 : memref<128x128xf32, #tpu.memory_space<hbm>>) target_semaphore(%arg16 : memref<!tpu.dma_semaphore, #tpu.memory_space<semaphore_mem>>)
    %dma_start3A_22 = arith.constant 256 : i32
    %dma_start3A_23 = tpu.memref_slice %arg5[%dma_start3A_22] : memref<6400xi32, #tpu.memory_space<vmem>> -> memref<128xi32, #tpu.memory_space<vmem>>
    %dma_start3A_24 = arith.constant 0 : i32
    %dma_start3A_25 = arith.constant 0 : i32
    %dma_start3A_26 = tpu.memref_slice %arg3[%dma_start3A_24, %dma_start3A_25] : memref<100000x128xf32, #tpu.memory_space<hbm>> -> memref<100000x128xf32, #tpu.memory_space<hbm>>
    tpu.enqueue_indirect_dma source(%dma_start3A_26 : memref<100000x128xf32, #tpu.memory_space<hbm>>) target(%arg8 : memref<128x128xf32, #tpu.memory_space<vmem>>) offsets(%dma_start3A_23 : memref<128xi32, #tpu.memory_space<vmem>>) semaphore(%arg13 : memref<!tpu.dma_semaphore, #tpu.memory_space<semaphore_mem>>)
    %dma_wait3A_27 = arith.constant 128 : i32
    %dma_wait3A_28 = tpu.memref_slice %arg5[%dma_wait3A_27] : memref<6400xi32, #tpu.memory_space<vmem>> -> memref<128xi32, #tpu.memory_space<vmem>>
    %dma_wait3A_29 = arith.constant 0 : i32
    %dma_wait3A_30 = arith.constant 0 : i32
    %dma_wait3A_31 = tpu.memref_slice %arg3[%dma_wait3A_29, %dma_wait3A_30] : memref<100000x128xf32, #tpu.memory_space<hbm>> -> memref<100000x128xf32, #tpu.memory_space<hbm>>
    tpu.wait_indirect_dma semaphore(%arg12 : memref<!tpu.dma_semaphore, #tpu.memory_space<semaphore_mem>>) src(%dma_wait3A_31 : memref<100000x128xf32, #tpu.memory_space<hbm>>) dst(%arg7 : memref<128x128xf32, #tpu.memory_space<vmem>>)
    %add3A_32 = arith.constant 128 : i32
    %add3A_33 = arith.addi %mul3A_2, %add3A_32 : i32
    %dma_start3A_34 = arith.constant 0 : i32
    %dma_start3A_35 = tpu.memref_slice %arg4[%add3A_33, %dma_start3A_34] : memref<204800x128xf32, #tpu.memory_space<hbm>> -> memref<128x128xf32, #tpu.memory_space<hbm>>
    %dma_start3A_36 = arith.constant 0 : i32
    %dma_start3A_37 = tpu.memref_slice %arg4[%add3A_33, %dma_start3A_36] : memref<204800x128xf32, #tpu.memory_space<hbm>> -> memref<128x128xf32, #tpu.memory_space<hbm>>
    tpu.enqueue_dma source(%arg7 : memref<128x128xf32, #tpu.memory_space<vmem>>) target(%dma_start3A_37 : memref<128x128xf32, #tpu.memory_space<hbm>>) target_semaphore(%arg17 : memref<!tpu.dma_semaphore, #tpu.memory_space<semaphore_mem>>)
    %dma_start3A_38 = arith.constant 384 : i32
    %dma_start3A_39 = tpu.memref_slice %arg5[%dma_start3A_38] : memref<6400xi32, #tpu.memory_space<vmem>> -> memref<128xi32, #tpu.memory_space<vmem>>
    %dma_start3A_40 = arith.constant 0 : i32
    %dma_start3A_41 = arith.constant 0 : i32
    %dma_start3A_42 = tpu.memref_slice %arg3[%dma_start3A_40, %dma_start3A_41] : memref<100000x128xf32, #tpu.memory_space<hbm>> -> memref<100000x128xf32, #tpu.memory_space<hbm>>
    tpu.enqueue_indirect_dma source(%dma_start3A_42 : memref<100000x128xf32, #tpu.memory_space<hbm>>) target(%arg9 : memref<128x128xf32, #tpu.memory_space<vmem>>) offsets(%dma_start3A_39 : memref<128xi32, #tpu.memory_space<vmem>>) semaphore(%arg14 : memref<!tpu.dma_semaphore, #tpu.memory_space<semaphore_mem>>)
    %dma_wait3A_43 = arith.constant 256 : i32
    %dma_wait3A_44 = tpu.memref_slice %arg5[%dma_wait3A_43] : memref<6400xi32, #tpu.memory_space<vmem>> -> memref<128xi32, #tpu.memory_space<vmem>>
    %dma_wait3A_45 = arith.constant 0 : i32
    %dma_wait3A_46 = arith.constant 0 : i32
    %dma_wait3A_47 = tpu.memref_slice %arg3[%dma_wait3A_45, %dma_wait3A_46] : memref<100000x128xf32, #tpu.memory_space<hbm>> -> memref<100000x128xf32, #tpu.memory_space<hbm>>
    tpu.wait_indirect_dma semaphore(%arg13 : memref<!tpu.dma_semaphore, #tpu.memory_space<semaphore_mem>>) src(%dma_wait3A_47 : memref<100000x128xf32, #tpu.memory_space<hbm>>) dst(%arg8 : memref<128x128xf32, #tpu.memory_space<vmem>>)
    %add3A_48 = arith.constant 256 : i32
    %add3A_49 = arith.addi %mul3A_2, %add3A_48 : i32
    %dma_start3A_50 = arith.constant 0 : i32
    %dma_start3A_51 = tpu.memref_slice %arg4[%add3A_49, %dma_start3A_50] : memref<204800x128xf32, #tpu.memory_space<hbm>> -> memref<128x128xf32, #tpu.memory_space<hbm>>
    %dma_start3A_52 = arith.constant 0 : i32
    %dma_start3A_53 = tpu.memref_slice %arg4[%add3A_49, %dma_start3A_52] : memref<204800x128xf32, #tpu.memory_space<hbm>> -> memref<128x128xf32, #tpu.memory_space<hbm>>
    tpu.enqueue_dma source(%arg8 : memref<128x128xf32, #tpu.memory_space<vmem>>) target(%dma_start3A_53 : memref<128x128xf32, #tpu.memory_space<hbm>>) target_semaphore(%arg18 : memref<!tpu.dma_semaphore, #tpu.memory_space<semaphore_mem>>)
    %dma_start3A_54 = arith.constant 512 : i32
    %dma_start3A_55 = tpu.memref_slice %arg5[%dma_start3A_54] : memref<6400xi32, #tpu.memory_space<vmem>> -> memref<128xi32, #tpu.memory_space<vmem>>
    %dma_start3A_56 = arith.constant 0 : i32
    %dma_start3A_57 = arith.constant 0 : i32
    %dma_start3A_58 = tpu.memref_slice %arg3[%dma_start3A_56, %dma_start3A_57] : memref<100000x128xf32, #tpu.memory_space<hbm>> -> memref<100000x128xf32, #tpu.memory_space<hbm>>
    tpu.enqueue_indirect_dma source(%dma_start3A_58 : memref<100000x128xf32, #tpu.memory_space<hbm>>) target(%arg10 : memref<128x128xf32, #tpu.memory_space<vmem>>) offsets(%dma_start3A_55 : memref<128xi32, #tpu.memory_space<vmem>>) semaphore(%arg15 : memref<!tpu.dma_semaphore, #tpu.memory_space<semaphore_mem>>)
    %dma_wait3A_59 = arith.constant 384 : i32
    %dma_wait3A_60 = tpu.memref_slice %arg5[%dma_wait3A_59] : memref<6400xi32, #tpu.memory_space<vmem>> -> memref<128xi32, #tpu.memory_space<vmem>>
    %dma_wait3A_61 = arith.constant 0 : i32
    %dma_wait3A_62 = arith.constant 0 : i32
    %dma_wait3A_63 = tpu.memref_slice %arg3[%dma_wait3A_61, %dma_wait3A_62] : memref<100000x128xf32, #tpu.memory_space<hbm>> -> memref<100000x128xf32, #tpu.memory_space<hbm>>
    tpu.wait_indirect_dma semaphore(%arg14 : memref<!tpu.dma_semaphore, #tpu.memory_space<semaphore_mem>>) src(%dma_wait3A_63 : memref<100000x128xf32, #tpu.memory_space<hbm>>) dst(%arg9 : memref<128x128xf32, #tpu.memory_space<vmem>>)
    %add3A_64 = arith.constant 384 : i32
    %add3A_65 = arith.addi %mul3A_2, %add3A_64 : i32
    %dma_start3A_66 = arith.constant 0 : i32
    %dma_start3A_67 = tpu.memref_slice %arg4[%add3A_65, %dma_start3A_66] : memref<204800x128xf32, #tpu.memory_space<hbm>> -> memref<128x128xf32, #tpu.memory_space<hbm>>
    %dma_start3A_68 = arith.constant 0 : i32
    %dma_start3A_69 = tpu.memref_slice %arg4[%add3A_65, %dma_start3A_68] : memref<204800x128xf32, #tpu.memory_space<hbm>> -> memref<128x128xf32, #tpu.memory_space<hbm>>
    tpu.enqueue_dma source(%arg9 : memref<128x128xf32, #tpu.memory_space<vmem>>) target(%dma_start3A_69 : memref<128x128xf32, #tpu.memory_space<hbm>>) target_semaphore(%arg19 : memref<!tpu.dma_semaphore, #tpu.memory_space<semaphore_mem>>)
    %add3A_70 = arith.constant 0 : i32
    %add3A_71 = arith.addi %mul3A_2, %add3A_70 : i32
    %dma_wait3A_72 = arith.constant 0 : i32
    %dma_wait3A_73 = tpu.memref_slice %arg4[%add3A_71, %dma_wait3A_72] : memref<204800x128xf32, #tpu.memory_space<hbm>> -> memref<128x128xf32, #tpu.memory_space<hbm>>
    %dma_wait3A_74 = arith.constant 0 : i32
    %dma_wait3A_75 = tpu.memref_slice %arg4[%add3A_71, %dma_wait3A_74] : memref<204800x128xf32, #tpu.memory_space<hbm>> -> memref<128x128xf32, #tpu.memory_space<hbm>>
    tpu.wait_dma2 semaphore(%arg16 : memref<!tpu.dma_semaphore, #tpu.memory_space<semaphore_mem>>) src(%arg6 : memref<128x128xf32, #tpu.memory_space<vmem>>) dst(%dma_wait3A_75 : memref<128x128xf32, #tpu.memory_space<hbm>>)
    %dma_start3A_76 = arith.constant 640 : i32
    %dma_start3A_77 = tpu.memref_slice %arg5[%dma_start3A_76] : memref<6400xi32, #tpu.memory_space<vmem>> -> memref<128xi32, #tpu.memory_space<vmem>>
    %dma_start3A_78 = arith.constant 0 : i32
    %dma_start3A_79 = arith.constant 0 : i32
    %dma_start3A_80 = tpu.memref_slice %arg3[%dma_start3A_78, %dma_start3A_79] : memref<100000x128xf32, #tpu.memory_space<hbm>> -> memref<100000x128xf32, #tpu.memory_space<hbm>>
    tpu.enqueue_indirect_dma source(%dma_start3A_80 : memref<100000x128xf32, #tpu.memory_space<hbm>>) target(%arg6 : memref<128x128xf32, #tpu.memory_space<vmem>>) offsets(%dma_start3A_77 : memref<128xi32, #tpu.memory_space<vmem>>) semaphore(%arg11 : memref<!tpu.dma_semaphore, #tpu.memory_space<semaphore_mem>>)
    %dma_wait3A_81 = arith.constant 512 : i32
    %dma_wait3A_82 = tpu.memref_slice %arg5[%dma_wait3A_81] : memref<6400xi32, #tpu.memory_space<vmem>> -> memref<128xi32, #tpu.memory_space<vmem>>
    %dma_wait3A_83 = arith.constant 0 : i32
    %dma_wait3A_84 = arith.constant 0 : i32
    %dma_wait3A_85 = tpu.memref_slice %arg3[%dma_wait3A_83, %dma_wait3A_84] : memref<100000x128xf32, #tpu.memory_space<hbm>> -> memref<100000x128xf32, #tpu.memory_space<hbm>>
    tpu.wait_indirect_dma semaphore(%arg15 : memref<!tpu.dma_semaphore, #tpu.memory_space<semaphore_mem>>) src(%dma_wait3A_85 : memref<100000x128xf32, #tpu.memory_space<hbm>>) dst(%arg10 : memref<128x128xf32, #tpu.memory_space<vmem>>)
    %add3A_86 = arith.constant 512 : i32
    %add3A_87 = arith.addi %mul3A_2, %add3A_86 : i32
    %dma_start3A_88 = arith.constant 0 : i32
    %dma_start3A_89 = tpu.memref_slice %arg4[%add3A_87, %dma_start3A_88] : memref<204800x128xf32, #tpu.memory_space<hbm>> -> memref<128x128xf32, #tpu.memory_space<hbm>>
    %dma_start3A_90 = arith.constant 0 : i32
    %dma_start3A_91 = tpu.memref_slice %arg4[%add3A_87, %dma_start3A_90] : memref<204800x128xf32, #tpu.memory_space<hbm>> -> memref<128x128xf32, #tpu.memory_space<hbm>>
    tpu.enqueue_dma source(%arg10 : memref<128x128xf32, #tpu.memory_space<vmem>>) target(%dma_start3A_91 : memref<128x128xf32, #tpu.memory_space<hbm>>) target_semaphore(%arg20 : memref<!tpu.dma_semaphore, #tpu.memory_space<semaphore_mem>>)
    %scan3A = arith.constant 0 : i32
    %scan3A_92 = arith.constant 8 : i32
    %scan3A_93 = arith.addi %scan3A, %scan3A_92 : i32
    %scan3A_94 = arith.constant 1 : i32
    scf.for %scan3A_225 = %scan3A to %scan3A_93 step %scan3A_94  : i32 {
      %mul3A_226 = arith.constant 1 : i32
      %mul3A_227 = arith.muli %scan3A_225, %mul3A_226 : i32
      %add3A_228 = arith.constant 1 : i32
      %add3A_229 = arith.addi %add3A_228, %mul3A_227 : i32
      %mul3A_230 = arith.constant 5 : i32
      %mul3A_231 = arith.muli %add3A_229, %mul3A_230 : i32
      %add3A_232 = arith.constant 0 : i32
      %add3A_233 = arith.addi %mul3A_231, %add3A_232 : i32
      %sub3A = arith.constant 5 : i32
      %sub3A_234 = arith.subi %add3A_233, %sub3A : i32
      %add3A_235 = arith.constant 1 : i32
      %add3A_236 = arith.addi %sub3A_234, %add3A_235 : i32
      %mul3A_237 = arith.constant 128 : i32
      %mul3A_238 = arith.muli %add3A_236, %mul3A_237 : i32
      %add3A_239 = arith.addi %mul3A_2, %mul3A_238 : i32
      %dma_wait3A_240 = arith.constant 0 : i32
      %dma_wait3A_241 = tpu.memref_slice %arg4[%add3A_239, %dma_wait3A_240] : memref<204800x128xf32, #tpu.memory_space<hbm>> -> memref<128x128xf32, #tpu.memory_space<hbm>>
      %dma_wait3A_242 = arith.constant 0 : i32
      %dma_wait3A_243 = tpu.memref_slice %arg4[%add3A_239, %dma_wait3A_242] : memref<204800x128xf32, #tpu.memory_space<hbm>> -> memref<128x128xf32, #tpu.memory_space<hbm>>
      tpu.wait_dma2 semaphore(%arg17 : memref<!tpu.dma_semaphore, #tpu.memory_space<semaphore_mem>>) src(%arg7 : memref<128x128xf32, #tpu.memory_space<vmem>>) dst(%dma_wait3A_243 : memref<128x128xf32, #tpu.memory_space<hbm>>)
      %add3A_244 = arith.constant 1 : i32
      %add3A_245 = arith.addi %add3A_233, %add3A_244 : i32
      %mul3A_246 = arith.constant 128 : i32
      %mul3A_247 = arith.muli %add3A_245, %mul3A_246 : i32
      %dma_start3A_248 = tpu.memref_slice %arg5[%mul3A_247] : memref<6400xi32, #tpu.memory_space<vmem>> -> memref<128xi32, #tpu.memory_space<vmem>>
      %dma_start3A_249 = arith.constant 0 : i32
      %dma_start3A_250 = arith.constant 0 : i32
      %dma_start3A_251 = tpu.memref_slice %arg3[%dma_start3A_249, %dma_start3A_250] : memref<100000x128xf32, #tpu.memory_space<hbm>> -> memref<100000x128xf32, #tpu.memory_space<hbm>>
      tpu.enqueue_indirect_dma source(%dma_start3A_251 : memref<100000x128xf32, #tpu.memory_space<hbm>>) target(%arg7 : memref<128x128xf32, #tpu.memory_space<vmem>>) offsets(%dma_start3A_248 : memref<128xi32, #tpu.memory_space<vmem>>) semaphore(%arg12 : memref<!tpu.dma_semaphore, #tpu.memory_space<semaphore_mem>>)
      %mul3A_252 = arith.constant 128 : i32
      %mul3A_253 = arith.muli %add3A_233, %mul3A_252 : i32
      %dma_wait3A_254 = tpu.memref_slice %arg5[%mul3A_253] : memref<6400xi32, #tpu.memory_space<vmem>> -> memref<128xi32, #tpu.memory_space<vmem>>
      %dma_wait3A_255 = arith.constant 0 : i32
      %dma_wait3A_256 = arith.constant 0 : i32
      %dma_wait3A_257 = tpu.memref_slice %arg3[%dma_wait3A_255, %dma_wait3A_256] : memref<100000x128xf32, #tpu.memory_space<hbm>> -> memref<100000x128xf32, #tpu.memory_space<hbm>>
      tpu.wait_indirect_dma semaphore(%arg11 : memref<!tpu.dma_semaphore, #tpu.memory_space<semaphore_mem>>) src(%dma_wait3A_257 : memref<100000x128xf32, #tpu.memory_space<hbm>>) dst(%arg6 : memref<128x128xf32, #tpu.memory_space<vmem>>)
      %mul3A_258 = arith.constant 128 : i32
      %mul3A_259 = arith.muli %add3A_233, %mul3A_258 : i32
      %add3A_260 = arith.addi %mul3A_2, %mul3A_259 : i32
      %dma_start3A_261 = arith.constant 0 : i32
      %dma_start3A_262 = tpu.memref_slice %arg4[%add3A_260, %dma_start3A_261] : memref<204800x128xf32, #tpu.memory_space<hbm>> -> memref<128x128xf32, #tpu.memory_space<hbm>>
      %dma_start3A_263 = arith.constant 0 : i32
      %dma_start3A_264 = tpu.memref_slice %arg4[%add3A_260, %dma_start3A_263] : memref<204800x128xf32, #tpu.memory_space<hbm>> -> memref<128x128xf32, #tpu.memory_space<hbm>>
      tpu.enqueue_dma source(%arg6 : memref<128x128xf32, #tpu.memory_space<vmem>>) target(%dma_start3A_264 : memref<128x128xf32, #tpu.memory_space<hbm>>) target_semaphore(%arg16 : memref<!tpu.dma_semaphore, #tpu.memory_space<semaphore_mem>>)
      %add3A_265 = arith.constant 1 : i32
      %add3A_266 = arith.addi %mul3A_231, %add3A_265 : i32
      %sub3A_267 = arith.constant 5 : i32
      %sub3A_268 = arith.subi %add3A_266, %sub3A_267 : i32
      %add3A_269 = arith.constant 1 : i32
      %add3A_270 = arith.addi %sub3A_268, %add3A_269 : i32
      %mul3A_271 = arith.constant 128 : i32
      %mul3A_272 = arith.muli %add3A_270, %mul3A_271 : i32
      %add3A_273 = arith.addi %mul3A_2, %mul3A_272 : i32
      %dma_wait3A_274 = arith.constant 0 : i32
      %dma_wait3A_275 = tpu.memref_slice %arg4[%add3A_273, %dma_wait3A_274] : memref<204800x128xf32, #tpu.memory_space<hbm>> -> memref<128x128xf32, #tpu.memory_space<hbm>>
      %dma_wait3A_276 = arith.constant 0 : i32
      %dma_wait3A_277 = tpu.memref_slice %arg4[%add3A_273, %dma_wait3A_276] : memref<204800x128xf32, #tpu.memory_space<hbm>> -> memref<128x128xf32, #tpu.memory_space<hbm>>
      tpu.wait_dma2 semaphore(%arg18 : memref<!tpu.dma_semaphore, #tpu.memory_space<semaphore_mem>>) src(%arg8 : memref<128x128xf32, #tpu.memory_space<vmem>>) dst(%dma_wait3A_277 : memref<128x128xf32, #tpu.memory_space<hbm>>)
      %add3A_278 = arith.constant 1 : i32
      %add3A_279 = arith.addi %add3A_266, %add3A_278 : i32
      %mul3A_280 = arith.constant 128 : i32
      %mul3A_281 = arith.muli %add3A_279, %mul3A_280 : i32
      %dma_start3A_282 = tpu.memref_slice %arg5[%mul3A_281] : memref<6400xi32, #tpu.memory_space<vmem>> -> memref<128xi32, #tpu.memory_space<vmem>>
      %dma_start3A_283 = arith.constant 0 : i32
      %dma_start3A_284 = arith.constant 0 : i32
      %dma_start3A_285 = tpu.memref_slice %arg3[%dma_start3A_283, %dma_start3A_284] : memref<100000x128xf32, #tpu.memory_space<hbm>> -> memref<100000x128xf32, #tpu.memory_space<hbm>>
      tpu.enqueue_indirect_dma source(%dma_start3A_285 : memref<100000x128xf32, #tpu.memory_space<hbm>>) target(%arg8 : memref<128x128xf32, #tpu.memory_space<vmem>>) offsets(%dma_start3A_282 : memref<128xi32, #tpu.memory_space<vmem>>) semaphore(%arg13 : memref<!tpu.dma_semaphore, #tpu.memory_space<semaphore_mem>>)
      %mul3A_286 = arith.constant 128 : i32
      %mul3A_287 = arith.muli %add3A_266, %mul3A_286 : i32
      %dma_wait3A_288 = tpu.memref_slice %arg5[%mul3A_287] : memref<6400xi32, #tpu.memory_space<vmem>> -> memref<128xi32, #tpu.memory_space<vmem>>
      %dma_wait3A_289 = arith.constant 0 : i32
      %dma_wait3A_290 = arith.constant 0 : i32
      %dma_wait3A_291 = tpu.memref_slice %arg3[%dma_wait3A_289, %dma_wait3A_290] : memref<100000x128xf32, #tpu.memory_space<hbm>> -> memref<100000x128xf32, #tpu.memory_space<hbm>>
      tpu.wait_indirect_dma semaphore(%arg12 : memref<!tpu.dma_semaphore, #tpu.memory_space<semaphore_mem>>) src(%dma_wait3A_291 : memref<100000x128xf32, #tpu.memory_space<hbm>>) dst(%arg7 : memref<128x128xf32, #tpu.memory_space<vmem>>)
      %mul3A_292 = arith.constant 128 : i32
      %mul3A_293 = arith.muli %add3A_266, %mul3A_292 : i32
      %add3A_294 = arith.addi %mul3A_2, %mul3A_293 : i32
      %dma_start3A_295 = arith.constant 0 : i32
      %dma_start3A_296 = tpu.memref_slice %arg4[%add3A_294, %dma_start3A_295] : memref<204800x128xf32, #tpu.memory_space<hbm>> -> memref<128x128xf32, #tpu.memory_space<hbm>>
      %dma_start3A_297 = arith.constant 0 : i32
      %dma_start3A_298 = tpu.memref_slice %arg4[%add3A_294, %dma_start3A_297] : memref<204800x128xf32, #tpu.memory_space<hbm>> -> memref<128x128xf32, #tpu.memory_space<hbm>>
      tpu.enqueue_dma source(%arg7 : memref<128x128xf32, #tpu.memory_space<vmem>>) target(%dma_start3A_298 : memref<128x128xf32, #tpu.memory_space<hbm>>) target_semaphore(%arg17 : memref<!tpu.dma_semaphore, #tpu.memory_space<semaphore_mem>>)
      %add3A_299 = arith.constant 2 : i32
      %add3A_300 = arith.addi %mul3A_231, %add3A_299 : i32
      %sub3A_301 = arith.constant 5 : i32
      %sub3A_302 = arith.subi %add3A_300, %sub3A_301 : i32
      %add3A_303 = arith.constant 1 : i32
      %add3A_304 = arith.addi %sub3A_302, %add3A_303 : i32
      %mul3A_305 = arith.constant 128 : i32
      %mul3A_306 = arith.muli %add3A_304, %mul3A_305 : i32
      %add3A_307 = arith.addi %mul3A_2, %mul3A_306 : i32
      %dma_wait3A_308 = arith.constant 0 : i32
      %dma_wait3A_309 = tpu.memref_slice %arg4[%add3A_307, %dma_wait3A_308] : memref<204800x128xf32, #tpu.memory_space<hbm>> -> memref<128x128xf32, #tpu.memory_space<hbm>>
      %dma_wait3A_310 = arith.constant 0 : i32
      %dma_wait3A_311 = tpu.memref_slice %arg4[%add3A_307, %dma_wait3A_310] : memref<204800x128xf32, #tpu.memory_space<hbm>> -> memref<128x128xf32, #tpu.memory_space<hbm>>
      tpu.wait_dma2 semaphore(%arg19 : memref<!tpu.dma_semaphore, #tpu.memory_space<semaphore_mem>>) src(%arg9 : memref<128x128xf32, #tpu.memory_space<vmem>>) dst(%dma_wait3A_311 : memref<128x128xf32, #tpu.memory_space<hbm>>)
      %add3A_312 = arith.constant 1 : i32
      %add3A_313 = arith.addi %add3A_300, %add3A_312 : i32
      %mul3A_314 = arith.constant 128 : i32
      %mul3A_315 = arith.muli %add3A_313, %mul3A_314 : i32
      %dma_start3A_316 = tpu.memref_slice %arg5[%mul3A_315] : memref<6400xi32, #tpu.memory_space<vmem>> -> memref<128xi32, #tpu.memory_space<vmem>>
      %dma_start3A_317 = arith.constant 0 : i32
      %dma_start3A_318 = arith.constant 0 : i32
      %dma_start3A_319 = tpu.memref_slice %arg3[%dma_start3A_317, %dma_start3A_318] : memref<100000x128xf32, #tpu.memory_space<hbm>> -> memref<100000x128xf32, #tpu.memory_space<hbm>>
      tpu.enqueue_indirect_dma source(%dma_start3A_319 : memref<100000x128xf32, #tpu.memory_space<hbm>>) target(%arg9 : memref<128x128xf32, #tpu.memory_space<vmem>>) offsets(%dma_start3A_316 : memref<128xi32, #tpu.memory_space<vmem>>) semaphore(%arg14 : memref<!tpu.dma_semaphore, #tpu.memory_space<semaphore_mem>>)
      %mul3A_320 = arith.constant 128 : i32
      %mul3A_321 = arith.muli %add3A_300, %mul3A_320 : i32
      %dma_wait3A_322 = tpu.memref_slice %arg5[%mul3A_321] : memref<6400xi32, #tpu.memory_space<vmem>> -> memref<128xi32, #tpu.memory_space<vmem>>
      %dma_wait3A_323 = arith.constant 0 : i32
      %dma_wait3A_324 = arith.constant 0 : i32
      %dma_wait3A_325 = tpu.memref_slice %arg3[%dma_wait3A_323, %dma_wait3A_324] : memref<100000x128xf32, #tpu.memory_space<hbm>> -> memref<100000x128xf32, #tpu.memory_space<hbm>>
      tpu.wait_indirect_dma semaphore(%arg13 : memref<!tpu.dma_semaphore, #tpu.memory_space<semaphore_mem>>) src(%dma_wait3A_325 : memref<100000x128xf32, #tpu.memory_space<hbm>>) dst(%arg8 : memref<128x128xf32, #tpu.memory_space<vmem>>)
      %mul3A_326 = arith.constant 128 : i32
      %mul3A_327 = arith.muli %add3A_300, %mul3A_326 : i32
      %add3A_328 = arith.addi %mul3A_2, %mul3A_327 : i32
      %dma_start3A_329 = arith.constant 0 : i32
      %dma_start3A_330 = tpu.memref_slice %arg4[%add3A_328, %dma_start3A_329] : memref<204800x128xf32, #tpu.memory_space<hbm>> -> memref<128x128xf32, #tpu.memory_space<hbm>>
      %dma_start3A_331 = arith.constant 0 : i32
      %dma_start3A_332 = tpu.memref_slice %arg4[%add3A_328, %dma_start3A_331] : memref<204800x128xf32, #tpu.memory_space<hbm>> -> memref<128x128xf32, #tpu.memory_space<hbm>>
      tpu.enqueue_dma source(%arg8 : memref<128x128xf32, #tpu.memory_space<vmem>>) target(%dma_start3A_332 : memref<128x128xf32, #tpu.memory_space<hbm>>) target_semaphore(%arg18 : memref<!tpu.dma_semaphore, #tpu.memory_space<semaphore_mem>>)
      %add3A_333 = arith.constant 3 : i32
      %add3A_334 = arith.addi %mul3A_231, %add3A_333 : i32
      %sub3A_335 = arith.constant 5 : i32
      %sub3A_336 = arith.subi %add3A_334, %sub3A_335 : i32
      %add3A_337 = arith.constant 1 : i32
      %add3A_338 = arith.addi %sub3A_336, %add3A_337 : i32
      %mul3A_339 = arith.constant 128 : i32
      %mul3A_340 = arith.muli %add3A_338, %mul3A_339 : i32
      %add3A_341 = arith.addi %mul3A_2, %mul3A_340 : i32
      %dma_wait3A_342 = arith.constant 0 : i32
      %dma_wait3A_343 = tpu.memref_slice %arg4[%add3A_341, %dma_wait3A_342] : memref<204800x128xf32, #tpu.memory_space<hbm>> -> memref<128x128xf32, #tpu.memory_space<hbm>>
      %dma_wait3A_344 = arith.constant 0 : i32
      %dma_wait3A_345 = tpu.memref_slice %arg4[%add3A_341, %dma_wait3A_344] : memref<204800x128xf32, #tpu.memory_space<hbm>> -> memref<128x128xf32, #tpu.memory_space<hbm>>
      tpu.wait_dma2 semaphore(%arg20 : memref<!tpu.dma_semaphore, #tpu.memory_space<semaphore_mem>>) src(%arg10 : memref<128x128xf32, #tpu.memory_space<vmem>>) dst(%dma_wait3A_345 : memref<128x128xf32, #tpu.memory_space<hbm>>)
      %add3A_346 = arith.constant 1 : i32
      %add3A_347 = arith.addi %add3A_334, %add3A_346 : i32
      %mul3A_348 = arith.constant 128 : i32
      %mul3A_349 = arith.muli %add3A_347, %mul3A_348 : i32
      %dma_start3A_350 = tpu.memref_slice %arg5[%mul3A_349] : memref<6400xi32, #tpu.memory_space<vmem>> -> memref<128xi32, #tpu.memory_space<vmem>>
      %dma_start3A_351 = arith.constant 0 : i32
      %dma_start3A_352 = arith.constant 0 : i32
      %dma_start3A_353 = tpu.memref_slice %arg3[%dma_start3A_351, %dma_start3A_352] : memref<100000x128xf32, #tpu.memory_space<hbm>> -> memref<100000x128xf32, #tpu.memory_space<hbm>>
      tpu.enqueue_indirect_dma source(%dma_start3A_353 : memref<100000x128xf32, #tpu.memory_space<hbm>>) target(%arg10 : memref<128x128xf32, #tpu.memory_space<vmem>>) offsets(%dma_start3A_350 : memref<128xi32, #tpu.memory_space<vmem>>) semaphore(%arg15 : memref<!tpu.dma_semaphore, #tpu.memory_space<semaphore_mem>>)
      %mul3A_354 = arith.constant 128 : i32
      %mul3A_355 = arith.muli %add3A_334, %mul3A_354 : i32
      %dma_wait3A_356 = tpu.memref_slice %arg5[%mul3A_355] : memref<6400xi32, #tpu.memory_space<vmem>> -> memref<128xi32, #tpu.memory_space<vmem>>
      %dma_wait3A_357 = arith.constant 0 : i32
      %dma_wait3A_358 = arith.constant 0 : i32
      %dma_wait3A_359 = tpu.memref_slice %arg3[%dma_wait3A_357, %dma_wait3A_358] : memref<100000x128xf32, #tpu.memory_space<hbm>> -> memref<100000x128xf32, #tpu.memory_space<hbm>>
      tpu.wait_indirect_dma semaphore(%arg14 : memref<!tpu.dma_semaphore, #tpu.memory_space<semaphore_mem>>) src(%dma_wait3A_359 : memref<100000x128xf32, #tpu.memory_space<hbm>>) dst(%arg9 : memref<128x128xf32, #tpu.memory_space<vmem>>)
      %mul3A_360 = arith.constant 128 : i32
      %mul3A_361 = arith.muli %add3A_334, %mul3A_360 : i32
      %add3A_362 = arith.addi %mul3A_2, %mul3A_361 : i32
      %dma_start3A_363 = arith.constant 0 : i32
      %dma_start3A_364 = tpu.memref_slice %arg4[%add3A_362, %dma_start3A_363] : memref<204800x128xf32, #tpu.memory_space<hbm>> -> memref<128x128xf32, #tpu.memory_space<hbm>>
      %dma_start3A_365 = arith.constant 0 : i32
      %dma_start3A_366 = tpu.memref_slice %arg4[%add3A_362, %dma_start3A_365] : memref<204800x128xf32, #tpu.memory_space<hbm>> -> memref<128x128xf32, #tpu.memory_space<hbm>>
      tpu.enqueue_dma source(%arg9 : memref<128x128xf32, #tpu.memory_space<vmem>>) target(%dma_start3A_366 : memref<128x128xf32, #tpu.memory_space<hbm>>) target_semaphore(%arg19 : memref<!tpu.dma_semaphore, #tpu.memory_space<semaphore_mem>>)
      %add3A_367 = arith.constant 4 : i32
      %add3A_368 = arith.addi %mul3A_231, %add3A_367 : i32
      %sub3A_369 = arith.constant 5 : i32
      %sub3A_370 = arith.subi %add3A_368, %sub3A_369 : i32
      %add3A_371 = arith.constant 1 : i32
      %add3A_372 = arith.addi %sub3A_370, %add3A_371 : i32
      %mul3A_373 = arith.constant 128 : i32
      %mul3A_374 = arith.muli %add3A_372, %mul3A_373 : i32
      %add3A_375 = arith.addi %mul3A_2, %mul3A_374 : i32
      %dma_wait3A_376 = arith.constant 0 : i32
      %dma_wait3A_377 = tpu.memref_slice %arg4[%add3A_375, %dma_wait3A_376] : memref<204800x128xf32, #tpu.memory_space<hbm>> -> memref<128x128xf32, #tpu.memory_space<hbm>>
      %dma_wait3A_378 = arith.constant 0 : i32
      %dma_wait3A_379 = tpu.memref_slice %arg4[%add3A_375, %dma_wait3A_378] : memref<204800x128xf32, #tpu.memory_space<hbm>> -> memref<128x128xf32, #tpu.memory_space<hbm>>
      tpu.wait_dma2 semaphore(%arg16 : memref<!tpu.dma_semaphore, #tpu.memory_space<semaphore_mem>>) src(%arg6 : memref<128x128xf32, #tpu.memory_space<vmem>>) dst(%dma_wait3A_379 : memref<128x128xf32, #tpu.memory_space<hbm>>)
      %add3A_380 = arith.constant 1 : i32
      %add3A_381 = arith.addi %add3A_368, %add3A_380 : i32
      %mul3A_382 = arith.constant 128 : i32
      %mul3A_383 = arith.muli %add3A_381, %mul3A_382 : i32
      %dma_start3A_384 = tpu.memref_slice %arg5[%mul3A_383] : memref<6400xi32, #tpu.memory_space<vmem>> -> memref<128xi32, #tpu.memory_space<vmem>>
      %dma_start3A_385 = arith.constant 0 : i32
      %dma_start3A_386 = arith.constant 0 : i32
      %dma_start3A_387 = tpu.memref_slice %arg3[%dma_start3A_385, %dma_start3A_386] : memref<100000x128xf32, #tpu.memory_space<hbm>> -> memref<100000x128xf32, #tpu.memory_space<hbm>>
      tpu.enqueue_indirect_dma source(%dma_start3A_387 : memref<100000x128xf32, #tpu.memory_space<hbm>>) target(%arg6 : memref<128x128xf32, #tpu.memory_space<vmem>>) offsets(%dma_start3A_384 : memref<128xi32, #tpu.memory_space<vmem>>) semaphore(%arg11 : memref<!tpu.dma_semaphore, #tpu.memory_space<semaphore_mem>>)
      %mul3A_388 = arith.constant 128 : i32
      %mul3A_389 = arith.muli %add3A_368, %mul3A_388 : i32
      %dma_wait3A_390 = tpu.memref_slice %arg5[%mul3A_389] : memref<6400xi32, #tpu.memory_space<vmem>> -> memref<128xi32, #tpu.memory_space<vmem>>
      %dma_wait3A_391 = arith.constant 0 : i32
      %dma_wait3A_392 = arith.constant 0 : i32
      %dma_wait3A_393 = tpu.memref_slice %arg3[%dma_wait3A_391, %dma_wait3A_392] : memref<100000x128xf32, #tpu.memory_space<hbm>> -> memref<100000x128xf32, #tpu.memory_space<hbm>>
      tpu.wait_indirect_dma semaphore(%arg15 : memref<!tpu.dma_semaphore, #tpu.memory_space<semaphore_mem>>) src(%dma_wait3A_393 : memref<100000x128xf32, #tpu.memory_space<hbm>>) dst(%arg10 : memref<128x128xf32, #tpu.memory_space<vmem>>)
      %mul3A_394 = arith.constant 128 : i32
      %mul3A_395 = arith.muli %add3A_368, %mul3A_394 : i32
      %add3A_396 = arith.addi %mul3A_2, %mul3A_395 : i32
      %dma_start3A_397 = arith.constant 0 : i32
      %dma_start3A_398 = tpu.memref_slice %arg4[%add3A_396, %dma_start3A_397] : memref<204800x128xf32, #tpu.memory_space<hbm>> -> memref<128x128xf32, #tpu.memory_space<hbm>>
      %dma_start3A_399 = arith.constant 0 : i32
      %dma_start3A_400 = tpu.memref_slice %arg4[%add3A_396, %dma_start3A_399] : memref<204800x128xf32, #tpu.memory_space<hbm>> -> memref<128x128xf32, #tpu.memory_space<hbm>>
      tpu.enqueue_dma source(%arg10 : memref<128x128xf32, #tpu.memory_space<vmem>>) target(%dma_start3A_400 : memref<128x128xf32, #tpu.memory_space<hbm>>) target_semaphore(%arg20 : memref<!tpu.dma_semaphore, #tpu.memory_space<semaphore_mem>>)
    }
    %scan3A_95 = arith.constant 8 : i32
    %add3A_96 = arith.constant 5248 : i32
    %add3A_97 = arith.addi %mul3A_2, %add3A_96 : i32
    %dma_wait3A_98 = arith.constant 0 : i32
    %dma_wait3A_99 = tpu.memref_slice %arg4[%add3A_97, %dma_wait3A_98] : memref<204800x128xf32, #tpu.memory_space<hbm>> -> memref<128x128xf32, #tpu.memory_space<hbm>>
    %dma_wait3A_100 = arith.constant 0 : i32
    %dma_wait3A_101 = tpu.memref_slice %arg4[%add3A_97, %dma_wait3A_100] : memref<204800x128xf32, #tpu.memory_space<hbm>> -> memref<128x128xf32, #tpu.memory_space<hbm>>
    tpu.wait_dma2 semaphore(%arg17 : memref<!tpu.dma_semaphore, #tpu.memory_space<semaphore_mem>>) src(%arg7 : memref<128x128xf32, #tpu.memory_space<vmem>>) dst(%dma_wait3A_101 : memref<128x128xf32, #tpu.memory_space<hbm>>)
    %dma_start3A_102 = arith.constant 5888 : i32
    %dma_start3A_103 = tpu.memref_slice %arg5[%dma_start3A_102] : memref<6400xi32, #tpu.memory_space<vmem>> -> memref<128xi32, #tpu.memory_space<vmem>>
    %dma_start3A_104 = arith.constant 0 : i32
    %dma_start3A_105 = arith.constant 0 : i32
    %dma_start3A_106 = tpu.memref_slice %arg3[%dma_start3A_104, %dma_start3A_105] : memref<100000x128xf32, #tpu.memory_space<hbm>> -> memref<100000x128xf32, #tpu.memory_space<hbm>>
    tpu.enqueue_indirect_dma source(%dma_start3A_106 : memref<100000x128xf32, #tpu.memory_space<hbm>>) target(%arg7 : memref<128x128xf32, #tpu.memory_space<vmem>>) offsets(%dma_start3A_103 : memref<128xi32, #tpu.memory_space<vmem>>) semaphore(%arg12 : memref<!tpu.dma_semaphore, #tpu.memory_space<semaphore_mem>>)
    %dma_wait3A_107 = arith.constant 5760 : i32
    %dma_wait3A_108 = tpu.memref_slice %arg5[%dma_wait3A_107] : memref<6400xi32, #tpu.memory_space<vmem>> -> memref<128xi32, #tpu.memory_space<vmem>>
    %dma_wait3A_109 = arith.constant 0 : i32
    %dma_wait3A_110 = arith.constant 0 : i32
    %dma_wait3A_111 = tpu.memref_slice %arg3[%dma_wait3A_109, %dma_wait3A_110] : memref<100000x128xf32, #tpu.memory_space<hbm>> -> memref<100000x128xf32, #tpu.memory_space<hbm>>
    tpu.wait_indirect_dma semaphore(%arg11 : memref<!tpu.dma_semaphore, #tpu.memory_space<semaphore_mem>>) src(%dma_wait3A_111 : memref<100000x128xf32, #tpu.memory_space<hbm>>) dst(%arg6 : memref<128x128xf32, #tpu.memory_space<vmem>>)
    %add3A_112 = arith.constant 5760 : i32
    %add3A_113 = arith.addi %mul3A_2, %add3A_112 : i32
    %dma_start3A_114 = arith.constant 0 : i32
    %dma_start3A_115 = tpu.memref_slice %arg4[%add3A_113, %dma_start3A_114] : memref<204800x128xf32, #tpu.memory_space<hbm>> -> memref<128x128xf32, #tpu.memory_space<hbm>>
    %dma_start3A_116 = arith.constant 0 : i32
    %dma_start3A_117 = tpu.memref_slice %arg4[%add3A_113, %dma_start3A_116] : memref<204800x128xf32, #tpu.memory_space<hbm>> -> memref<128x128xf32, #tpu.memory_space<hbm>>
    tpu.enqueue_dma source(%arg6 : memref<128x128xf32, #tpu.memory_space<vmem>>) target(%dma_start3A_117 : memref<128x128xf32, #tpu.memory_space<hbm>>) target_semaphore(%arg16 : memref<!tpu.dma_semaphore, #tpu.memory_space<semaphore_mem>>)
    %add3A_118 = arith.constant 5376 : i32
    %add3A_119 = arith.addi %mul3A_2, %add3A_118 : i32
    %dma_wait3A_120 = arith.constant 0 : i32
    %dma_wait3A_121 = tpu.memref_slice %arg4[%add3A_119, %dma_wait3A_120] : memref<204800x128xf32, #tpu.memory_space<hbm>> -> memref<128x128xf32, #tpu.memory_space<hbm>>
    %dma_wait3A_122 = arith.constant 0 : i32
    %dma_wait3A_123 = tpu.memref_slice %arg4[%add3A_119, %dma_wait3A_122] : memref<204800x128xf32, #tpu.memory_space<hbm>> -> memref<128x128xf32, #tpu.memory_space<hbm>>
    tpu.wait_dma2 semaphore(%arg18 : memref<!tpu.dma_semaphore, #tpu.memory_space<semaphore_mem>>) src(%arg8 : memref<128x128xf32, #tpu.memory_space<vmem>>) dst(%dma_wait3A_123 : memref<128x128xf32, #tpu.memory_space<hbm>>)
    %dma_start3A_124 = arith.constant 6016 : i32
    %dma_start3A_125 = tpu.memref_slice %arg5[%dma_start3A_124] : memref<6400xi32, #tpu.memory_space<vmem>> -> memref<128xi32, #tpu.memory_space<vmem>>
    %dma_start3A_126 = arith.constant 0 : i32
    %dma_start3A_127 = arith.constant 0 : i32
    %dma_start3A_128 = tpu.memref_slice %arg3[%dma_start3A_126, %dma_start3A_127] : memref<100000x128xf32, #tpu.memory_space<hbm>> -> memref<100000x128xf32, #tpu.memory_space<hbm>>
    tpu.enqueue_indirect_dma source(%dma_start3A_128 : memref<100000x128xf32, #tpu.memory_space<hbm>>) target(%arg8 : memref<128x128xf32, #tpu.memory_space<vmem>>) offsets(%dma_start3A_125 : memref<128xi32, #tpu.memory_space<vmem>>) semaphore(%arg13 : memref<!tpu.dma_semaphore, #tpu.memory_space<semaphore_mem>>)
    %dma_wait3A_129 = arith.constant 5888 : i32
    %dma_wait3A_130 = tpu.memref_slice %arg5[%dma_wait3A_129] : memref<6400xi32, #tpu.memory_space<vmem>> -> memref<128xi32, #tpu.memory_space<vmem>>
    %dma_wait3A_131 = arith.constant 0 : i32
    %dma_wait3A_132 = arith.constant 0 : i32
    %dma_wait3A_133 = tpu.memref_slice %arg3[%dma_wait3A_131, %dma_wait3A_132] : memref<100000x128xf32, #tpu.memory_space<hbm>> -> memref<100000x128xf32, #tpu.memory_space<hbm>>
    tpu.wait_indirect_dma semaphore(%arg12 : memref<!tpu.dma_semaphore, #tpu.memory_space<semaphore_mem>>) src(%dma_wait3A_133 : memref<100000x128xf32, #tpu.memory_space<hbm>>) dst(%arg7 : memref<128x128xf32, #tpu.memory_space<vmem>>)
    %add3A_134 = arith.constant 5888 : i32
    %add3A_135 = arith.addi %mul3A_2, %add3A_134 : i32
    %dma_start3A_136 = arith.constant 0 : i32
    %dma_start3A_137 = tpu.memref_slice %arg4[%add3A_135, %dma_start3A_136] : memref<204800x128xf32, #tpu.memory_space<hbm>> -> memref<128x128xf32, #tpu.memory_space<hbm>>
    %dma_start3A_138 = arith.constant 0 : i32
    %dma_start3A_139 = tpu.memref_slice %arg4[%add3A_135, %dma_start3A_138] : memref<204800x128xf32, #tpu.memory_space<hbm>> -> memref<128x128xf32, #tpu.memory_space<hbm>>
    tpu.enqueue_dma source(%arg7 : memref<128x128xf32, #tpu.memory_space<vmem>>) target(%dma_start3A_139 : memref<128x128xf32, #tpu.memory_space<hbm>>) target_semaphore(%arg17 : memref<!tpu.dma_semaphore, #tpu.memory_space<semaphore_mem>>)
    %add3A_140 = arith.constant 5504 : i32
    %add3A_141 = arith.addi %mul3A_2, %add3A_140 : i32
    %dma_wait3A_142 = arith.constant 0 : i32
    %dma_wait3A_143 = tpu.memref_slice %arg4[%add3A_141, %dma_wait3A_142] : memref<204800x128xf32, #tpu.memory_space<hbm>> -> memref<128x128xf32, #tpu.memory_space<hbm>>
    %dma_wait3A_144 = arith.constant 0 : i32
    %dma_wait3A_145 = tpu.memref_slice %arg4[%add3A_141, %dma_wait3A_144] : memref<204800x128xf32, #tpu.memory_space<hbm>> -> memref<128x128xf32, #tpu.memory_space<hbm>>
    tpu.wait_dma2 semaphore(%arg19 : memref<!tpu.dma_semaphore, #tpu.memory_space<semaphore_mem>>) src(%arg9 : memref<128x128xf32, #tpu.memory_space<vmem>>) dst(%dma_wait3A_145 : memref<128x128xf32, #tpu.memory_space<hbm>>)
    %dma_start3A_146 = arith.constant 6144 : i32
    %dma_start3A_147 = tpu.memref_slice %arg5[%dma_start3A_146] : memref<6400xi32, #tpu.memory_space<vmem>> -> memref<128xi32, #tpu.memory_space<vmem>>
    %dma_start3A_148 = arith.constant 0 : i32
    %dma_start3A_149 = arith.constant 0 : i32
    %dma_start3A_150 = tpu.memref_slice %arg3[%dma_start3A_148, %dma_start3A_149] : memref<100000x128xf32, #tpu.memory_space<hbm>> -> memref<100000x128xf32, #tpu.memory_space<hbm>>
    tpu.enqueue_indirect_dma source(%dma_start3A_150 : memref<100000x128xf32, #tpu.memory_space<hbm>>) target(%arg9 : memref<128x128xf32, #tpu.memory_space<vmem>>) offsets(%dma_start3A_147 : memref<128xi32, #tpu.memory_space<vmem>>) semaphore(%arg14 : memref<!tpu.dma_semaphore, #tpu.memory_space<semaphore_mem>>)
    %dma_wait3A_151 = arith.constant 6016 : i32
    %dma_wait3A_152 = tpu.memref_slice %arg5[%dma_wait3A_151] : memref<6400xi32, #tpu.memory_space<vmem>> -> memref<128xi32, #tpu.memory_space<vmem>>
    %dma_wait3A_153 = arith.constant 0 : i32
    %dma_wait3A_154 = arith.constant 0 : i32
    %dma_wait3A_155 = tpu.memref_slice %arg3[%dma_wait3A_153, %dma_wait3A_154] : memref<100000x128xf32, #tpu.memory_space<hbm>> -> memref<100000x128xf32, #tpu.memory_space<hbm>>
    tpu.wait_indirect_dma semaphore(%arg13 : memref<!tpu.dma_semaphore, #tpu.memory_space<semaphore_mem>>) src(%dma_wait3A_155 : memref<100000x128xf32, #tpu.memory_space<hbm>>) dst(%arg8 : memref<128x128xf32, #tpu.memory_space<vmem>>)
    %add3A_156 = arith.constant 6016 : i32
    %add3A_157 = arith.addi %mul3A_2, %add3A_156 : i32
    %dma_start3A_158 = arith.constant 0 : i32
    %dma_start3A_159 = tpu.memref_slice %arg4[%add3A_157, %dma_start3A_158] : memref<204800x128xf32, #tpu.memory_space<hbm>> -> memref<128x128xf32, #tpu.memory_space<hbm>>
    %dma_start3A_160 = arith.constant 0 : i32
    %dma_start3A_161 = tpu.memref_slice %arg4[%add3A_157, %dma_start3A_160] : memref<204800x128xf32, #tpu.memory_space<hbm>> -> memref<128x128xf32, #tpu.memory_space<hbm>>
    tpu.enqueue_dma source(%arg8 : memref<128x128xf32, #tpu.memory_space<vmem>>) target(%dma_start3A_161 : memref<128x128xf32, #tpu.memory_space<hbm>>) target_semaphore(%arg18 : memref<!tpu.dma_semaphore, #tpu.memory_space<semaphore_mem>>)
    %add3A_162 = arith.constant 5632 : i32
    %add3A_163 = arith.addi %mul3A_2, %add3A_162 : i32
    %dma_wait3A_164 = arith.constant 0 : i32
    %dma_wait3A_165 = tpu.memref_slice %arg4[%add3A_163, %dma_wait3A_164] : memref<204800x128xf32, #tpu.memory_space<hbm>> -> memref<128x128xf32, #tpu.memory_space<hbm>>
    %dma_wait3A_166 = arith.constant 0 : i32
    %dma_wait3A_167 = tpu.memref_slice %arg4[%add3A_163, %dma_wait3A_166] : memref<204800x128xf32, #tpu.memory_space<hbm>> -> memref<128x128xf32, #tpu.memory_space<hbm>>
    tpu.wait_dma2 semaphore(%arg20 : memref<!tpu.dma_semaphore, #tpu.memory_space<semaphore_mem>>) src(%arg10 : memref<128x128xf32, #tpu.memory_space<vmem>>) dst(%dma_wait3A_167 : memref<128x128xf32, #tpu.memory_space<hbm>>)
    %dma_start3A_168 = arith.constant 6272 : i32
    %dma_start3A_169 = tpu.memref_slice %arg5[%dma_start3A_168] : memref<6400xi32, #tpu.memory_space<vmem>> -> memref<128xi32, #tpu.memory_space<vmem>>
    %dma_start3A_170 = arith.constant 0 : i32
    %dma_start3A_171 = arith.constant 0 : i32
    %dma_start3A_172 = tpu.memref_slice %arg3[%dma_start3A_170, %dma_start3A_171] : memref<100000x128xf32, #tpu.memory_space<hbm>> -> memref<100000x128xf32, #tpu.memory_space<hbm>>
    tpu.enqueue_indirect_dma source(%dma_start3A_172 : memref<100000x128xf32, #tpu.memory_space<hbm>>) target(%arg10 : memref<128x128xf32, #tpu.memory_space<vmem>>) offsets(%dma_start3A_169 : memref<128xi32, #tpu.memory_space<vmem>>) semaphore(%arg15 : memref<!tpu.dma_semaphore, #tpu.memory_space<semaphore_mem>>)
    %dma_wait3A_173 = arith.constant 6144 : i32
    %dma_wait3A_174 = tpu.memref_slice %arg5[%dma_wait3A_173] : memref<6400xi32, #tpu.memory_space<vmem>> -> memref<128xi32, #tpu.memory_space<vmem>>
    %dma_wait3A_175 = arith.constant 0 : i32
    %dma_wait3A_176 = arith.constant 0 : i32
    %dma_wait3A_177 = tpu.memref_slice %arg3[%dma_wait3A_175, %dma_wait3A_176] : memref<100000x128xf32, #tpu.memory_space<hbm>> -> memref<100000x128xf32, #tpu.memory_space<hbm>>
    tpu.wait_indirect_dma semaphore(%arg14 : memref<!tpu.dma_semaphore, #tpu.memory_space<semaphore_mem>>) src(%dma_wait3A_177 : memref<100000x128xf32, #tpu.memory_space<hbm>>) dst(%arg9 : memref<128x128xf32, #tpu.memory_space<vmem>>)
    %add3A_178 = arith.constant 6144 : i32
    %add3A_179 = arith.addi %mul3A_2, %add3A_178 : i32
    %dma_start3A_180 = arith.constant 0 : i32
    %dma_start3A_181 = tpu.memref_slice %arg4[%add3A_179, %dma_start3A_180] : memref<204800x128xf32, #tpu.memory_space<hbm>> -> memref<128x128xf32, #tpu.memory_space<hbm>>
    %dma_start3A_182 = arith.constant 0 : i32
    %dma_start3A_183 = tpu.memref_slice %arg4[%add3A_179, %dma_start3A_182] : memref<204800x128xf32, #tpu.memory_space<hbm>> -> memref<128x128xf32, #tpu.memory_space<hbm>>
    tpu.enqueue_dma source(%arg9 : memref<128x128xf32, #tpu.memory_space<vmem>>) target(%dma_start3A_183 : memref<128x128xf32, #tpu.memory_space<hbm>>) target_semaphore(%arg19 : memref<!tpu.dma_semaphore, #tpu.memory_space<semaphore_mem>>)
    %add3A_184 = arith.constant 5760 : i32
    %add3A_185 = arith.addi %mul3A_2, %add3A_184 : i32
    %dma_wait3A_186 = arith.constant 0 : i32
    %dma_wait3A_187 = tpu.memref_slice %arg4[%add3A_185, %dma_wait3A_186] : memref<204800x128xf32, #tpu.memory_space<hbm>> -> memref<128x128xf32, #tpu.memory_space<hbm>>
    %dma_wait3A_188 = arith.constant 0 : i32
    %dma_wait3A_189 = tpu.memref_slice %arg4[%add3A_185, %dma_wait3A_188] : memref<204800x128xf32, #tpu.memory_space<hbm>> -> memref<128x128xf32, #tpu.memory_space<hbm>>
    tpu.wait_dma2 semaphore(%arg16 : memref<!tpu.dma_semaphore, #tpu.memory_space<semaphore_mem>>) src(%arg6 : memref<128x128xf32, #tpu.memory_space<vmem>>) dst(%dma_wait3A_189 : memref<128x128xf32, #tpu.memory_space<hbm>>)
    %dma_wait3A_190 = arith.constant 6272 : i32
    %dma_wait3A_191 = tpu.memref_slice %arg5[%dma_wait3A_190] : memref<6400xi32, #tpu.memory_space<vmem>> -> memref<128xi32, #tpu.memory_space<vmem>>
    %dma_wait3A_192 = arith.constant 0 : i32
    %dma_wait3A_193 = arith.constant 0 : i32
    %dma_wait3A_194 = tpu.memref_slice %arg3[%dma_wait3A_192, %dma_wait3A_193] : memref<100000x128xf32, #tpu.memory_space<hbm>> -> memref<100000x128xf32, #tpu.memory_space<hbm>>
    tpu.wait_indirect_dma semaphore(%arg15 : memref<!tpu.dma_semaphore, #tpu.memory_space<semaphore_mem>>) src(%dma_wait3A_194 : memref<100000x128xf32, #tpu.memory_space<hbm>>) dst(%arg10 : memref<128x128xf32, #tpu.memory_space<vmem>>)
    %add3A_195 = arith.constant 6272 : i32
    %add3A_196 = arith.addi %mul3A_2, %add3A_195 : i32
    %dma_start3A_197 = arith.constant 0 : i32
    %dma_start3A_198 = tpu.memref_slice %arg4[%add3A_196, %dma_start3A_197] : memref<204800x128xf32, #tpu.memory_space<hbm>> -> memref<128x128xf32, #tpu.memory_space<hbm>>
    %dma_start3A_199 = arith.constant 0 : i32
    %dma_start3A_200 = tpu.memref_slice %arg4[%add3A_196, %dma_start3A_199] : memref<204800x128xf32, #tpu.memory_space<hbm>> -> memref<128x128xf32, #tpu.memory_space<hbm>>
    tpu.enqueue_dma source(%arg10 : memref<128x128xf32, #tpu.memory_space<vmem>>) target(%dma_start3A_200 : memref<128x128xf32, #tpu.memory_space<hbm>>) target_semaphore(%arg20 : memref<!tpu.dma_semaphore, #tpu.memory_space<semaphore_mem>>)
    %add3A_201 = arith.constant 5888 : i32
    %add3A_202 = arith.addi %mul3A_2, %add3A_201 : i32
    %dma_wait3A_203 = arith.constant 0 : i32
    %dma_wait3A_204 = tpu.memref_slice %arg4[%add3A_202, %dma_wait3A_203] : memref<204800x128xf32, #tpu.memory_space<hbm>> -> memref<128x128xf32, #tpu.memory_space<hbm>>
    %dma_wait3A_205 = arith.constant 0 : i32
    %dma_wait3A_206 = tpu.memref_slice %arg4[%add3A_202, %dma_wait3A_205] : memref<204800x128xf32, #tpu.memory_space<hbm>> -> memref<128x128xf32, #tpu.memory_space<hbm>>
    tpu.wait_dma2 semaphore(%arg17 : memref<!tpu.dma_semaphore, #tpu.memory_space<semaphore_mem>>) src(%arg7 : memref<128x128xf32, #tpu.memory_space<vmem>>) dst(%dma_wait3A_206 : memref<128x128xf32, #tpu.memory_space<hbm>>)
    %add3A_207 = arith.constant 6016 : i32
    %add3A_208 = arith.addi %mul3A_2, %add3A_207 : i32
    %dma_wait3A_209 = arith.constant 0 : i32
    %dma_wait3A_210 = tpu.memref_slice %arg4[%add3A_208, %dma_wait3A_209] : memref<204800x128xf32, #tpu.memory_space<hbm>> -> memref<128x128xf32, #tpu.memory_space<hbm>>
    %dma_wait3A_211 = arith.constant 0 : i32
    %dma_wait3A_212 = tpu.memref_slice %arg4[%add3A_208, %dma_wait3A_211] : memref<204800x128xf32, #tpu.memory_space<hbm>> -> memref<128x128xf32, #tpu.memory_space<hbm>>
    tpu.wait_dma2 semaphore(%arg18 : memref<!tpu.dma_semaphore, #tpu.memory_space<semaphore_mem>>) src(%arg8 : memref<128x128xf32, #tpu.memory_space<vmem>>) dst(%dma_wait3A_212 : memref<128x128xf32, #tpu.memory_space<hbm>>)
    %add3A_213 = arith.constant 6144 : i32
    %add3A_214 = arith.addi %mul3A_2, %add3A_213 : i32
    %dma_wait3A_215 = arith.constant 0 : i32
    %dma_wait3A_216 = tpu.memref_slice %arg4[%add3A_214, %dma_wait3A_215] : memref<204800x128xf32, #tpu.memory_space<hbm>> -> memref<128x128xf32, #tpu.memory_space<hbm>>
    %dma_wait3A_217 = arith.constant 0 : i32
    %dma_wait3A_218 = tpu.memref_slice %arg4[%add3A_214, %dma_wait3A_217] : memref<204800x128xf32, #tpu.memory_space<hbm>> -> memref<128x128xf32, #tpu.memory_space<hbm>>
    tpu.wait_dma2 semaphore(%arg19 : memref<!tpu.dma_semaphore, #tpu.memory_space<semaphore_mem>>) src(%arg9 : memref<128x128xf32, #tpu.memory_space<vmem>>) dst(%dma_wait3A_218 : memref<128x128xf32, #tpu.memory_space<hbm>>)
    %add3A_219 = arith.constant 6272 : i32
    %add3A_220 = arith.addi %mul3A_2, %add3A_219 : i32
    %dma_wait3A_221 = arith.constant 0 : i32
    %dma_wait3A_222 = tpu.memref_slice %arg4[%add3A_220, %dma_wait3A_221] : memref<204800x128xf32, #tpu.memory_space<hbm>> -> memref<128x128xf32, #tpu.memory_space<hbm>>
    %dma_wait3A_223 = arith.constant 0 : i32
    %dma_wait3A_224 = tpu.memref_slice %arg4[%add3A_220, %dma_wait3A_223] : memref<204800x128xf32, #tpu.memory_space<hbm>> -> memref<128x128xf32, #tpu.memory_space<hbm>>
    tpu.wait_dma2 semaphore(%arg20 : memref<!tpu.dma_semaphore, #tpu.memory_space<semaphore_mem>>) src(%arg10 : memref<128x128xf32, #tpu.memory_space<vmem>>) dst(%dma_wait3A_224 : memref<128x128xf32, #tpu.memory_space<hbm>>)
    return
  }
}

module attributes {stable_mosaic.version = 14 : i64} {
  func.func @_tc_concat_body(%arg0: i32, %arg1: memref<64x8192xf32, #tpu.memory_space<vmem>>, %arg2: memref<64x8192xf32, #tpu.memory_space<vmem>>, %arg3: memref<8192x128xf32, #tpu.memory_space<vmem>>) attributes {dimension_semantics = [#tpu.dimension_semantics<arbitrary>], iteration_bounds = array<i64: 13>, scalar_prefetch = 0 : i64, scratch_operands = 0 : i64, tpu.core_type = #tpu.core_type<tc>, window_params = [{transform_indices = @transform_0, window_bounds = array<i64: 64, 8192>}, {transform_indices = @transform_1, window_bounds = array<i64: 64, 8192>}, {transform_indices = @transform_2, window_bounds = array<i64: 8192, 128>}]} {
    %iota3A = tpu.iota {dimensions = array<i32: 0>} : vector<64x64xi32>
    %iota3A_0 = tpu.iota {dimensions = array<i32: 1>} : vector<64x64xi32>
    %eq3A = arith.cmpi eq, %iota3A, %iota3A_0 : vector<64x64xi32>
    %convert_element_type3A = arith.extui %eq3A : vector<64x64xi1> to vector<64x64xi32>
    %convert_element_type3A_1 = arith.sitofp %convert_element_type3A : vector<64x64xi32> to vector<64x64xf32>
    %get3A = arith.constant 0 : index
    %get3A_2 = arith.constant 0 : index
    %get3A_3 = vector.load %arg1[%get3A, %get3A_2] : memref<64x8192xf32, #tpu.memory_space<vmem>>, vector<64x8192xf32>
    %transpose3A = tpu.transpose %get3A_3, [1, 0] : vector<64x8192xf32> -> vector<8192x64xf32>
    %swap3A = arith.constant 0 : index
    %swap3A_4 = arith.constant 0 : index
    %swap3A_5 = vector.load %arg3[%swap3A, %swap3A_4] : memref<8192x128xf32, #tpu.memory_space<vmem>>, vector<8192x64xf32>
    tpu.vector_store %arg3[%swap3A, %swap3A_4], %transpose3A {strides = array<i32>} : memref<8192x128xf32, #tpu.memory_space<vmem>>, vector<8192x64xf32>,
    %get3A_6 = arith.constant 0 : index
    %get3A_7 = arith.constant 0 : index
    %get3A_8 = vector.load %arg2[%get3A_6, %get3A_7] : memref<64x8192xf32, #tpu.memory_space<vmem>>, vector<64x8192xf32>
    %dot_general3A = arith.constant dense<0.000000e+00> : vector<8192x64xf32>
    %dot_general3A_9 = tpu.matmul %get3A_8, %convert_element_type3A_1, %dot_general3A {dimension_numbers = #tpu.dot_dimension_numbers<[0], [0], [1], [1], [0, 1, 1, 1], [], []>, transpose_lhs_hint = false} : vector<64x8192xf32>, vector<64x64xf32>, vector<8192x64xf32> -> vector<8192x64xf32>
    %swap3A_10 = arith.constant 0 : index
    %swap3A_11 = arith.constant 64 : index
    %swap3A_12 = vector.load %arg3[%swap3A_10, %swap3A_11] : memref<8192x128xf32, #tpu.memory_space<vmem>>, vector<8192x64xf32>
    tpu.vector_store %arg3[%swap3A_10, %swap3A_11], %dot_general3A_9 {strides = array<i32>} : memref<8192x128xf32, #tpu.memory_space<vmem>>, vector<8192x64xf32>,
    return
  }
  func.func @transform_0(%arg0: i32) -> (i32, i32) {
    %c0_i32 = arith.constant 0 : i32
    %c0_i32_0 = arith.constant 0 : i32
    return %c0_i32, %arg0 : i32, i32
  }
  func.func @transform_1(%arg0: i32) -> (i32, i32) {
    %c0_i32 = arith.constant 0 : i32
    %c0_i32_0 = arith.constant 0 : i32
    return %c0_i32, %arg0 : i32, i32
  }
  func.func @transform_2(%arg0: i32) -> (i32, i32) {
    %c0_i32 = arith.constant 0 : i32
    %c0_i32_0 = arith.constant 0 : i32
    return %arg0, %c0_i32 : i32, i32
  }
}

</mosaic_0001>

<sc_bundles>
// kernel: kernel.4.cloned.1.call-start
scs
__scs_entry_jumppad:
0x0: {  	(pc) =	sbr.rel $0x88, $3  }
0x1: {  	(tag) =	ssettag $0x0;
	lr =	simm.s32 $0x1  }
0x2: {  	[smem:$0x3F9E] =	sst lr;
	_ =	strace $0xD0000000  }
0x3: {  	_ = 	snop  }
0x4: {  	_ = 	snop  }
0x5: {  	_ = 	snop  }
0x6: {  	_ = 	snop  }
0x7: {  	_ = 	snop  }
__scs_overlays_trampoline_lowered:
0x8: {  	[smem:$0x3FAD] =	sst s0  }
0x9: {  	[smem:$0x3FAE] =	sst s1  }
0xa: {  	[smem:$0x3FAF] =	sst s2  }
0xb: {  	[smem:$0x3FB0] =	sst s3  }
0xc: {  	[smem:$0x3FB1] =	sst s4  }
0xd: {  	[smem:$0x3FB2] =	sst s5  }
0xe: {  	[smem:$0x3FB3] =	sst s6  }
0xf: {  	[smem:$0x3FB4] =	sst s7  }
0x10: {  	[smem:$0x3FB5] =	sst s8  }
0x11: {  	[smem:$0x3FB6] =	sst s9;
	s0 =	simm.s32 @!p0 $0x0  }
0x12: {  	s1 =	sld [smem:$0x3F9C];
	s0 =	simm.s32 @p0 $0x1  }
0x13: {  	[smem:$0x3FB7] =	sst s0;
	s0 =	simm.s32 @!p1 $0x0  }
0x14: {  	s2 =	sld [smem:$0x3F9B];
	s0 =	simm.s32 @p1 $0x1  }
0x15: {  	[smem:$0x3FB8] =	sst s0;
	s0 =	simm.s32 @!p2 $0x0  }
0x16: {  	s3 =	sld [smem:$0x3FDB];
	s0 =	simm.s32 @p2 $0x1  }
0x17: {  	s4 =	simm.s32 $0x1BF5;
	[smem:$0x3FBA] =	sst s0  }
0x18: {  	s0 =	sld [smem:$0x3F9D];
	_ =	swait.ge [sflag:s4], $0x0  }
0x19: {  	s7 =	sld [smem:$0x3F9E]  }
0x1a: {  	s8 =	sadd.s32 $0xFFFFE003, lr  }
0x1b: {  	s9 =	sadd.s32 $0xFFFFFEF7, lr;
	s5 =	simm.s32 $0xFFFFFFFF;
	p2 =	slt.u32 s8, $0xFFFFF086  }
0x1c: {  	p1 =	slt.u32 s9, $0xF7A;
	s5 =	simm.s32 @!p2 $0x0  }
0x1d: {  	s5 =	simm.s32 @p1 $0x1;
	p0 =	seq.s32 s7, s2  }
0x1e: {  	s7 =	smul.u32 @!p0 $0xF7A, s2;
	p2 =	seq.s32 @!p0 s5, $0x0  }
0x1f: {  	s9 =	smul.u32 $0xF7A, s1;
	s8 =	simm.s32 @!p0 $0x1BF5;
	p2 =	por !p2, p0  }
0x20: {  	[sflag:s8] =	ssyncset.s32 @!p0 $0xFFFFF086;
	s6 =	sadd.s32 @!p0 s3, s7;
	s7 =	simm.s32 @!p0 $0x108  }
0x21: {  	s3 =	sadd.s32 s3, s9;
	s6 =	sadd.s32 @!p0 $0x88, s6;
	s7 =	simm.s32 @p2 $0x1082  }
0x22: {  	[simem:s7], [sflag:s8] =	dma.local @!p0 [hbm:s6], $0xF7A  }
0x23: {  	s9 =	sor.u32 $0xD0000000, s2;
	s6 =	simm.s32 $0x108;
	_ =	swait.ge @!p0 [sflag:s8], $0x0  }
0x24: {  	s3 =	sadd.s32 $0x88, s3;
	s6 =	simm.s32 @!p1 $0x1082;
	[sflag:s4] =	ssyncset.s32 $0xFFFFF086  }
0x25: {  	[simem:s6], [sflag:s4] =	dma.local [hbm:s3], $0xF7A  }
0x26: {  	[smem:$0x3F9E] =	sst s1;
	(tag) =	ssettag s2;
	_ =	strace s9  }
0x27: {  	s1 =	sld [smem:$0x3FAE]  }
0x28: {  	s2 =	sld [smem:$0x3FAF]  }
0x29: {  	s4 =	sld [smem:$0x3FB1]  }
0x2a: {  	p0 =	seq.s32 s5, $0x0;
	s5 =	sld [smem:$0x3FB2]  }
0x2b: {  	s6 =	sld [smem:$0x3FB3]  }
0x2c: {  	s7 =	sld [smem:$0x3FB4]  }
0x2d: {  	s3 =	simm.s32 $0x108;
	s8 =	sld [smem:$0x3FB5]  }
0x2e: {  	s3 =	simm.s32 @!p0 $0x1082;
	s9 =	sld [smem:$0x3FB6]  }
0x2f: {  	lr =	sadd.s32 s0, s3;
	s0 =	sld [smem:$0x3FAD]  }
0x30: {  	s3 =	sld [smem:$0x3FB0]  }
0x31: {  	[smem:$0x3FB9] =	sst s10  }
0x32: {  	s10 =	sld [smem:$0x3FB7];
	_ =	sdelay $0x3  }
0x33: {  	p0 =	seq.s32 s10, $0x1;
	s10 =	sld [smem:$0x3FB9];
	_ =	sdelay $0x3  }
0x34: {  	[smem:$0x3FB9] =	sst s10  }
0x35: {  	s10 =	sld [smem:$0x3FB8];
	_ =	sdelay $0x3  }
0x36: {  	p1 =	seq.s32 s10, $0x1;
	s10 =	sld [smem:$0x3FB9];
	_ =	sdelay $0x3  }
0x37: {  	[smem:$0x3FB9] =	sst s10  }
0x38: {  	s10 =	sld [smem:$0x3FBA]  }
0x39: {  	_ = 	snop;
	(pc) =	sbr.ind lr, $3  }
0x3a: {  	_ = 	snop  }
0x3b: {  	_ = 	snop  }
0x3c: {  	p2 =	seq.s32 s10, $0x1;
	s10 =	sld [smem:$0x3FB9]  }
0x3d: {  	_ =	shalt  }
0x3e: {  	_ =	shalt  }
0x3f: {  	_ =	shalt  }
0x40: {  	_ =	shalt  }
0x41: {  	_ =	shalt  }
0x42: {  	_ =	shalt  }
0x43: {  	_ =	shalt  }
0x44: {  	_ =	shalt  }
0x45: {  	_ =	shalt  }
0x46: {  	_ =	shalt  }
0x47: {  	_ =	shalt  }
0x48: {  	_ =	shalt  }
0x49: {  	_ =	shalt  }
0x4a: {  	_ =	shalt  }
0x4b: {  	_ =	shalt  }
0x4c: {  	_ =	shalt  }
0x4d: {  	_ =	shalt  }
0x4e: {  	_ =	shalt  }
0x4f: {  	_ =	shalt  }
0x50: {  	_ =	shalt  }
0x51: {  	_ =	shalt  }
0x52: {  	_ =	shalt  }
0x53: {  	_ =	shalt  }
0x54: {  	_ =	shalt  }
0x55: {  	_ =	shalt  }
0x56: {  	_ =	shalt  }
0x57: {  	_ =	shalt  }
0x58: {  	_ =	shalt  }
0x59: {  	_ =	shalt  }
0x5a: {  	_ =	shalt  }
0x5b: {  	_ =	shalt  }
0x5c: {  	_ =	shalt  }
0x5d: {  	_ =	shalt  }
0x5e: {  	_ =	shalt  }
0x5f: {  	_ =	shalt  }
0x60: {  	_ =	shalt  }
0x61: {  	_ =	shalt  }
0x62: {  	_ =	shalt  }
0x63: {  	_ =	shalt  }
0x64: {  	_ =	shalt  }
0x65: {  	_ =	shalt  }
0x66: {  	_ =	shalt  }
0x67: {  	_ =	shalt  }
0x68: {  	_ =	shalt  }
0x69: {  	_ =	shalt  }
0x6a: {  	_ =	shalt  }
0x6b: {  	_ =	shalt  }
0x6c: {  	_ =	shalt  }
0x6d: {  	_ =	shalt  }
0x6e: {  	_ =	shalt  }
0x6f: {  	_ =	shalt  }
0x70: {  	_ =	shalt  }
0x71: {  	_ =	shalt  }
0x72: {  	_ =	shalt  }
0x73: {  	_ =	shalt  }
0x74: {  	_ =	shalt  }
0x75: {  	_ =	shalt  }
0x76: {  	_ =	shalt  }
0x77: {  	_ =	shalt  }
0x78: {  	_ =	shalt  }
0x79: {  	_ =	shalt  }
0x7a: {  	_ =	shalt  }
0x7b: {  	_ =	shalt  }
0x7c: {  	_ =	shalt  }
0x7d: {  	_ =	shalt  }
0x7e: {  	_ =	shalt  }
0x7f: {  	_ =	shalt  }
0x80: {  	_ =	shalt  }
0x81: {  	_ =	shalt  }
0x82: {  	_ =	shalt  }
0x83: {  	_ =	shalt  }
0x84: {  	_ =	shalt  }
0x85: {  	_ =	shalt  }
0x86: {  	_ =	shalt  }
0x87: {  	_ =	shalt  }
.Lfunc_end0:
.L_simem_size_0:
called_computation_lowered:
.L_overlay_start_0:
0x88: {  	s2 =	sld [smem:$0x3FD9]  }
0x89: {  	s3 =	sld [smem:$0x3FFE];
	_ =	sdelay $0x1  }
0x8a: {  	s1 =	srdreg.scid  }
0x8b: {  	s0 =	sand.u32 $0x1, s1  }
0x8c: {  	s17 =	sshll.u32 s0, $0xA;
	s2 =	sadd.s32 s3, s2  }
0x8d: {  	s2 =	sadd.s32 s2, s17  }
0x8e: {  	[smem:$0x3FC5] =	sst s2  }
0x8f: {  	_ = 	snop  }
0x90: {  	s2 =	sld [smem:$0x3FD0];
	(tm) =	ssettm $0x1  }
0x91: {  	s18 =	sld [smem:$0x3FFB];
	_ =	sdelay $0x3  }
0x92: {  	_ =	strace s18  }
0x93: {  	s3 =	sld [smem:$0x3FFC];
	_ =	sdelay $0x3  }
0x94: {  	_ =	strace s3  }
0x95: {  	s3 =	sld [smem:$0x3FFD];
	_ =	sdelay $0x3  }
0x96: {  	_ =	strace s3  }
0x97: {  	_ =	strace $0x8FFFFFFF  }
0x98: {  	s19 =	sld [smem:$0x3FDB];
	_ =	sdelay $0x1  }
0x99: {  	s4 =	simm.s32 $_scs_section_size  }
0x9a: {  	s5 =	simm.s32 $_size__tile_overlayer_lowered;
	s6 =	simm.s32 $_tile_overlayer_lowered  }
0x9b: {  	s22 =	simm.s32 $0x1BFF;
	s21 =	sshll.u32 s6, $0x1;
	s3 =	sadd.s32 s4, s19  }
0x9c: {  	s7 =	simm.s32 $0x0;
	s20 =	sshll.u32 s5, $0x1;
	s5 =	sadd.s32 s21, s3  }
0x9d: {  	[timem:s7], [sflag:s22] =	dma.local [hbm:s5], s20  }
0x9e: {  	_ =	swait.ge [sflag:s22], s20  }
0x9f: {  	s4 =	ssub.s32 $0x0, s20;
	[sflag:s22] =	ssyncset.done $0x0  }
0xa0: {  	[sflag:s22] =	ssyncadd.s32 s4;
	_ =	sdelay $0x1  }
0xa1: {  	s23 =	simm.s32 $0x1B8B  }
0xa2: {  	_ =	swait.ge [sflag:s23], $0x1  }
0xa3: {  	[sflag:s23] =	ssyncset.done $0x0  }
0xa4: {  	s25 =	simm.s32 $0x1B8E;
	s24 =	sld [smem:$0x3FFE];
	[sflag:s23] =	ssyncadd.s32 $0xFFFFFFFF  }
0xa5: {  	s26 =	simm.s32 $execute0_lowered;
	[smem:$0x3FD2] =	sst s25  }
0xa6: {  	s5 =	sshll.u32 s26, $0x1;
	_ =	strace $0x80000046;
	[dreg:$0x1] =	wrdreg $0xFFFFFFFF  }
0xa7: {  	s28 =	simm.s32 $_size_execute0_lowered;
	s3 =	sadd.s32 s3, s5;
	[dreg:$0x0] =	wrdreg $0x0  }
0xa8: {  	s5 =	sshll.u32 s28, $0x1;
	[dreg:$0x2] =	wrdreg s3  }
0xa9: {  	[dreg:$0x3] =	wrdreg s5  }
0xaa: {  	[dreg:$0x4] =	wrdreg $0xC0  }
0xab: {  	_ =	task [dreg:s7], $0x5FFFF  }
0xac: {  	[dreg:$0x1] =	wrdreg $0xFFFFFFFF  }
0xad: {  	[dreg:$0x0] =	wrdreg $0x60  }
0xae: {  	[dreg:$0x2] =	wrdreg s24  }
0xaf: {  	[dreg:$0x3] =	wrdreg s2  }
0xb0: {  	[dreg:$0x4] =	wrdreg $0x9  }
0xb1: {  	_ =	task.clear_ibuf [dreg:s7], $0x5FFFF;
	_ =	strace $0x90000046  }
0xb2: {  	s29 =	simm.s32 $0x9;
	_ =	strace $0x80000048  }
0xb3: {  	_ =	swait.ge [sflag:s29], $0x1  }
0xb4: {  	[sflag:s29] =	ssyncadd.s32 $0xFFFFFFFF  }
0xb5: {  	_ =	strace $0x90000048  }
0xb6: {  	_ =	sfence  }
0xb7: {  	s30 =	sld [smem:$0x0];
	_ =	sdelay $0x2  }
0xb8: {  	s31 =	sshll.u32 s1, $0xD;
	s1 =	sshrl.u32 s1, $0x2  }
0xb9: {  	s3 =	sand.u32 $0x4000, s31;
	s1 =	sadd.s32 s1, s30  }
0xba: {  	s0 =	sor.u32 s3, s0;
	s1 =	sshll.u32 s1, $0x11  }
0xbb: {  	s0 =	sor.u32 s1, s0  }
0xbc: {  	s0 =	sadd.s32 $0x8F2B, s0  }
0xbd: {  	[sflag:s0] =	ssyncadd.remote.s32 $0x1  }
0xbe: {  	_ =	sfence.sel $0xFFFF  }
0xbf: {  	[dreg:$0x0] =	wrdreg $0xFFFFFFFF;
	(pc) =	sbr.abs _section_cstart, $3  }
0xc0: {  	[dreg:$0x1] =	wrdreg $0xFFFFFFFF  }
0xc1: {  	_ =	task.clear_ibuf [dreg:s7], $0x2FFFF;
	_ =	strace $0x9FFFFFFF  }
0xc2: {  	(tm) =	ssettm $0x7FFFFFFF  }
0xc3: {  	_ =	shalt  }
tec
execute0_lowered:
.L_overlay_start_1:
0x0: {  	(tag) =	ssettag $0x1  }
0x1: {  	s0 =	srdreg.scid;
	s9 =	stileid.u32  }
0x2: {  	s1 =	rddreg [dreg:$0x0];
	s0 =	sand.u32 $0x1, s0;
	s2 =	sshll.u32 s9, $0x1  }
0x3: {  	s4 =	rddreg [dreg:$0x1];
	s28 =	simm.s32 $0x9900;
	s5 =	sor.u32 s0, s2  }
0x4: {  	s29 =	simm.s32 $0x2;
	s31 =	simm.s32 $0xD900;
	s3 =	smul.u32 $0x1900, s5  }
0x5: {  	s30 =	simm.s32 $0x4;
	s2 =	simm.s32 $0x0;
	s8 =	smul.u32 $0xC8000, s5  }
0x6: {  	s10 =	simm.s32 $0x0;
	[smem:$0x7FF] =	sst s2;
	s5 =	smul.u32 $0x19000, s5  }
0x7: {  	s13 =	smul.u32 $0x3200, s9;
	s9 =	simm.s32 $0xA;
	_ =	strace $0x80000047  }
0x8: {  	s3 =	sshrl.u32 s3, $0x3;
	s12 =	sshrl.u32 s8, $0x3;
	s14 =	sadd.s32 s4, s5  }
0x9: {  	s6 =	sadd.s32 s3, s1;
	[dreg:$0x3] =	wrdreg s14;
	s16 =	sadd.s32 $0x800, s14  }
0xa: {  	s15 =	sadd.s32 s4, s12;
	s6 =	sadd.s32 $0x400, s6;
	[dreg:$0x5] =	wrdreg s16  }
0xb: {  	s7 =	ssub.s32 $0x2, s0;
	s17 =	sadd.s32 $0x1000, s15;
	[dreg:$0x4] =	wrdreg s6  }
0xc: {  	s0 =	smul.u32 $0x1900, s0;
	s18 =	sadd.s32 $0x1800, s15;
	[dreg:$0x6] =	wrdreg s17  }
0xd: {  	s11 =	sshrl.u32 s7, $0x1;
	s19 =	sadd.s32 $0x2000, s15;
	[dreg:$0x7] =	wrdreg s18  }
0xe: {  	s0 =	sadd.s32 s0, s13;
	s20 =	sadd.s32 $0x16800, s15;
	[dreg:$0x8] =	wrdreg s19  }
0xf: {  	s0 =	sshll.u32 s0, $0x4;
	s21 =	sadd.s32 $0x17000, s15;
	[dreg:$0x9] =	wrdreg s20  }
0x10: {  	s5 =	simm.s32 $0x5;
	s22 =	sadd.s32 $0x17800, s15;
	[dreg:$0xa] =	wrdreg s21  }
0x11: {  	s3 =	sadd.s32 $0x6800, s1;
	s23 =	sadd.s32 $0x18000, s15;
	[dreg:$0xb] =	wrdreg s22  }
0x12: {  	s1 =	ssub.s32 s7, s11;
	s24 =	sadd.s32 $0x18800, s15;
	[dreg:$0xc] =	wrdreg s23  }
0x13: {  	s0 =	sadd.s32 s4, s0;
	s1 =	smax.u32 s1, $0x1;
	[dreg:$0xd] =	wrdreg s24  }
0x14: {  	s8 =	simm.s32 $0x9;
	s25 =	sadd.s32 $0x4000, s0;
	[dreg:$0xe] =	wrdreg s1  }
0x15: {  	s7 =	simm.s32 $0x8;
	s26 =	sadd.s32 $0x3800, s0;
	[dreg:$0xf] =	wrdreg s25  }
0x16: {  	s21 =	sadd.s32 $0x4800, s0;
	[dreg:$0x10] =	wrdreg s26;
	s19 =	sadd.s32 $0x2800, s0  }
0x17: {  	s20 =	sadd.s32 $0x3000, s0;
	s22 =	simm.s32 $0x80;
	s23 =	simm.s32 $0x1900  }
0x18: {  	s24 =	simm.s32 $0x5900;
	s25 =	simm.s32 $0x1;
	s1 =	simm.s32 $0x3  }
0x19: {  	s26 =	simm.s32 $0x11900;
	s0 =	simm.s32 $0x6;
	s6 =	simm.s32 $0x7  }
.LBB2_1:
0x1a: {  	s4 =	rddreg [dreg:$0x4];
	s12 =	simm.s32 $0xB  }
0x1b: {  	[tilespmem:s2], [sflag:$0xB] =	stream.linear.gather [hbm4b:s4+s2], $0x1900, $0x38;
	[tilespmem:$0x15900] =	vst v63  }
0x1c: {  	_ =	swait.ge [sflag:s12], $0x1900  }
0x1d: {  	[sflag:s12] =	ssyncset.done $0x0  }
0x1e: {  	[sflag:s12] =	ssyncadd.s32 $0xFFFFE700  }
0x1f: {  	[tilespmem:s23], [sflag:$0x1] =	stream.indirect.gather [hbm4b:s3+s22], $0x80, s2, s22, $0xb8;
	[tilespmem:$0x15900] =	vst v63  }
0x20: {  	_ = 	snop  }
0x21: {  	[tilespmem:s24], [sflag:$0x2] =	stream.indirect.gather [hbm4b:s3+s22], $0x80, s22, s22, $0xb8;
	[tilespmem:$0x15900] =	vst v63  }
0x22: {  	_ =	swait.ge [sflag:s25], $0x4000  }
0x23: {  	[sflag:s25] =	ssyncset.done $0x0  }
0x24: {  	s13 =	rddreg [dreg:$0x3];
	[sflag:s25] =	ssyncadd.s32 $0xFFFFC000  }
0x25: {  	[hbm4b:s13+s2] =	stream.linear.scatter [tilespmem:s23], [sflag:$0x6], $0x4000, $0x38;
	[tilespmem:$0x15900] =	vst v63  }
0x26: {  	s14 =	simm.s32 $0x100  }
0x27: {  	[tilespmem:s28], [sflag:$0x3] =	stream.indirect.gather [hbm4b:s3+s22], $0x80, s14, s22, $0xb8;
	[tilespmem:$0x15900] =	vst v63  }
0x28: {  	_ =	swait.ge [sflag:s29], $0x4000  }
0x29: {  	[sflag:s29] =	ssyncset.done $0x0  }
0x2a: {  	s15 =	rddreg [dreg:$0x5];
	[sflag:s29] =	ssyncadd.s32 $0xFFFFC000  }
0x2b: {  	[hbm4b:s15+s2] =	stream.linear.scatter [tilespmem:s24], [sflag:$0x7], $0x4000, $0x38;
	[tilespmem:$0x15900] =	vst v63  }
0x2c: {  	s16 =	simm.s32 $0x180  }
0x2d: {  	[tilespmem:s31], [sflag:$0x4] =	stream.indirect.gather [hbm4b:s3+s22], $0x80, s16, s22, $0xb8;
	[tilespmem:$0x15900] =	vst v63  }
0x2e: {  	_ =	swait.ge [sflag:s1], $0x4000  }
0x2f: {  	[sflag:s1] =	ssyncset.done $0x0  }
0x30: {  	s17 =	rddreg [dreg:$0x6];
	[sflag:s1] =	ssyncadd.s32 $0xFFFFC000  }
0x31: {  	[hbm4b:s17+s2] =	stream.linear.scatter [tilespmem:s28], [sflag:$0x8], $0x4000, $0x38;
	[tilespmem:$0x15900] =	vst v63  }
0x32: {  	s18 =	simm.s32 $0x200  }
0x33: {  	[tilespmem:s26], [sflag:$0x5] =	stream.indirect.gather [hbm4b:s3+s22], $0x80, s18, s22, $0xb8;
	[tilespmem:$0x15900] =	vst v63  }
0x34: {  	_ =	swait.ge [sflag:s30], $0x4000  }
0x35: {  	[sflag:s30] =	ssyncset.done $0x0  }
0x36: {  	s11 =	rddreg [dreg:$0x7];
	[sflag:s30] =	ssyncadd.s32 $0xFFFFC000  }
0x37: {  	[hbm4b:s11+s2] =	stream.linear.scatter [tilespmem:s31], [sflag:$0x9], $0x4000, $0x38;
	[tilespmem:$0x15900] =	vst v63  }
0x38: {  	_ =	swait.ge [sflag:s0], $0x4000  }
0x39: {  	[sflag:s0] =	ssyncset.done $0x0  }
0x3a: {  	s12 =	simm.s32 $0x280;
	[sflag:s0] =	ssyncadd.s32 $0xFFFFC000  }
0x3b: {  	[tilespmem:s23], [sflag:$0x1] =	stream.indirect.gather [hbm4b:s3+s22], $0x80, s12, s22, $0xb8;
	[tilespmem:$0x15900] =	vst v63  }
0x3c: {  	_ =	swait.ge [sflag:s5], $0x4000  }
0x3d: {  	[sflag:s5] =	ssyncset.done $0x0  }
0x3e: {  	s13 =	rddreg [dreg:$0x8];
	[sflag:s5] =	ssyncadd.s32 $0xFFFFC000  }
0x3f: {  	[hbm4b:s13+s2] =	stream.linear.scatter [tilespmem:s26], [sflag:$0xA], $0x4000, $0x38;
	[tilespmem:$0x15900] =	vst v63  }
0x40: {  	_ =	swait.ge [sflag:s6], $0x4000  }
0x41: {  	[sflag:s6] =	ssyncset.done $0x0  }
0x42: {  	s14 =	simm.s32 $0x300;
	[sflag:s6] =	ssyncadd.s32 $0xFFFFC000  }
0x43: {  	[tilespmem:s24], [sflag:$0x2] =	stream.indirect.gather [hbm4b:s3+s22], $0x80, s14, s22, $0xb8;
	[tilespmem:$0x15900] =	vst v63  }
0x44: {  	_ =	swait.ge [sflag:s25], $0x4000  }
0x45: {  	[sflag:s25] =	ssyncset.done $0x0  }
0x46: {  	[sflag:s25] =	ssyncadd.s32 $0xFFFFC000  }
0x47: {  	[hbm4b:s19+s2] =	stream.linear.scatter [tilespmem:s23], [sflag:$0x6], $0x4000, $0x38;
	[tilespmem:$0x15900] =	vst v63  }
0x48: {  	_ =	swait.ge [sflag:s7], $0x4000  }
0x49: {  	[sflag:s7] =	ssyncset.done $0x0  }
0x4a: {  	s15 =	simm.s32 $0x380;
	[sflag:s7] =	ssyncadd.s32 $0xFFFFC000  }
0x4b: {  	[tilespmem:s28], [sflag:$0x3] =	stream.indirect.gather [hbm4b:s3+s22], $0x80, s15, s22, $0xb8;
	[tilespmem:$0x15900] =	vst v63  }
0x4c: {  	_ =	swait.ge [sflag:s29], $0x4000  }
0x4d: {  	[sflag:s29] =	ssyncset.done $0x0  }
0x4e: {  	[sflag:s29] =	ssyncadd.s32 $0xFFFFC000  }
0x4f: {  	[hbm4b:s20+s2] =	stream.linear.scatter [tilespmem:s24], [sflag:$0x7], $0x4000, $0x38;
	[tilespmem:$0x15900] =	vst v63  }
0x50: {  	_ =	swait.ge [sflag:s8], $0x4000  }
0x51: {  	[sflag:s8] =	ssyncset.done $0x0  }
0x52: {  	s16 =	simm.s32 $0x400;
	[sflag:s8] =	ssyncadd.s32 $0xFFFFC000  }
0x53: {  	[tilespmem:s31], [sflag:$0x4] =	stream.indirect.gather [hbm4b:s3+s22], $0x80, s16, s22, $0xb8;
	[tilespmem:$0x15900] =	vst v63  }
0x54: {  	_ =	swait.ge [sflag:s1], $0x4000  }
0x55: {  	[sflag:s1] =	ssyncset.done $0x0  }
0x56: {  	s12 =	rddreg [dreg:$0x10];
	[sflag:s1] =	ssyncadd.s32 $0xFFFFC000  }
0x57: {  	[hbm4b:s12+s2] =	stream.linear.scatter [tilespmem:s28], [sflag:$0x8], $0x4000, $0x38;
	[tilespmem:$0x15900] =	vst v63  }
0x58: {  	_ =	swait.ge [sflag:s9], $0x4000  }
0x59: {  	[sflag:s9] =	ssyncset.done $0x0  }
0x5a: {  	s17 =	simm.s32 $0x480;
	[sflag:s9] =	ssyncadd.s32 $0xFFFFC000  }
0x5b: {  	[tilespmem:s26], [sflag:$0x5] =	stream.indirect.gather [hbm4b:s3+s22], $0x80, s17, s22, $0xb8;
	[tilespmem:$0x15900] =	vst v63  }
0x5c: {  	_ =	swait.ge [sflag:s30], $0x4000  }
0x5d: {  	[sflag:s30] =	ssyncset.done $0x0  }
0x5e: {  	s15 =	rddreg [dreg:$0xf];
	[sflag:s30] =	ssyncadd.s32 $0xFFFFC000  }
0x5f: {  	[hbm4b:s15+s2] =	stream.linear.scatter [tilespmem:s31], [sflag:$0x9], $0x4000, $0x38;
	[tilespmem:$0x15900] =	vst v63  }
0x60: {  	_ =	swait.ge [sflag:s0], $0x4000  }
0x61: {  	[sflag:s0] =	ssyncset.done $0x0  }
0x62: {  	s4 =	simm.s32 $0xA00;
	s18 =	simm.s32 $0x500;
	[sflag:s0] =	ssyncadd.s32 $0xFFFFC000  }
0x63: {  	[tilespmem:s23], [sflag:$0x1] =	stream.indirect.gather [hbm4b:s3+s22], $0x80, s18, s22, $0xb8;
	[tilespmem:$0x15900] =	vst v63  }
0x64: {  	s11 =	sadd.s32 $0x2800, s20;
	s13 =	sadd.s32 $0x2800, s19;
	_ =	swait.ge [sflag:s5], $0x4000  }
0x65: {  	s14 =	sadd.s32 $0x2800, s21;
	s16 =	smov.u32 s21;
	[sflag:s5] =	ssyncset.done $0x0  }
0x66: {  	s12 =	sadd.s32 $0x2800, s12;
	s15 =	sadd.s32 $0x2800, s15;
	[sflag:s5] =	ssyncadd.s32 $0xFFFFC000  }
.LBB2_2:
0x67: {  	[hbm4b:s16+s2] =	stream.linear.scatter [tilespmem:s26], [sflag:$0xA], $0x4000, $0x38;
	[tilespmem:$0x15900] =	vst v63  }
0x68: {  	s17 =	smov.u32 s4;
	s16 =	smov.u32 s14  }
0x69: {  	p0 =	sne.s32 s4, $0x4600;
	s4 =	sadd.s32 $0xA00, s4;
	_ =	swait.ge [sflag:s6], $0x4000  }
0x6a: {  	s17 =	sshra.s32 s17, $0x2;
	[sflag:s6] =	ssyncset.done $0x0  }
0x6b: {  	s18 =	sadd.s32 $0x300, s17;
	[sflag:s6] =	ssyncadd.s32 $0xFFFFC000  }
0x6c: {  	[tilespmem:s24], [sflag:$0x2] =	stream.indirect.gather [hbm4b:s3+s22], $0x80, s18, s22, $0xb8;
	[tilespmem:$0x15900] =	vst v63  }
0x6d: {  	_ =	swait.ge [sflag:s25], $0x4000  }
0x6e: {  	[sflag:s25] =	ssyncset.done $0x0  }
0x6f: {  	[sflag:s25] =	ssyncadd.s32 $0xFFFFC000  }
0x70: {  	[hbm4b:s13+s2] =	stream.linear.scatter [tilespmem:s23], [sflag:$0x6], $0x4000, $0x38;
	[tilespmem:$0x15900] =	vst v63  }
0x71: {  	_ =	swait.ge [sflag:s7], $0x4000  }
0x72: {  	[sflag:s7] =	ssyncset.done $0x0  }
0x73: {  	s18 =	sadd.s32 $0x380, s17;
	[sflag:s7] =	ssyncadd.s32 $0xFFFFC000  }
0x74: {  	[tilespmem:s28], [sflag:$0x3] =	stream.indirect.gather [hbm4b:s3+s22], $0x80, s18, s22, $0xb8;
	[tilespmem:$0x15900] =	vst v63  }
0x75: {  	_ =	swait.ge [sflag:s29], $0x4000  }
0x76: {  	[sflag:s29] =	ssyncset.done $0x0  }
0x77: {  	[sflag:s29] =	ssyncadd.s32 $0xFFFFC000  }
0x78: {  	[hbm4b:s11+s2] =	stream.linear.scatter [tilespmem:s24], [sflag:$0x7], $0x4000, $0x38;
	[tilespmem:$0x15900] =	vst v63  }
0x79: {  	_ =	swait.ge [sflag:s8], $0x4000  }
0x7a: {  	[sflag:s8] =	ssyncset.done $0x0  }
0x7b: {  	s18 =	sadd.s32 $0x400, s17;
	[sflag:s8] =	ssyncadd.s32 $0xFFFFC000  }
0x7c: {  	[tilespmem:s31], [sflag:$0x4] =	stream.indirect.gather [hbm4b:s3+s22], $0x80, s18, s22, $0xb8;
	[tilespmem:$0x15900] =	vst v63  }
0x7d: {  	_ =	swait.ge [sflag:s1], $0x4000  }
0x7e: {  	[sflag:s1] =	ssyncset.done $0x0  }
0x7f: {  	[sflag:s1] =	ssyncadd.s32 $0xFFFFC000  }
0x80: {  	[hbm4b:s12+s2] =	stream.linear.scatter [tilespmem:s28], [sflag:$0x8], $0x4000, $0x38;
	[tilespmem:$0x15900] =	vst v63  }
0x81: {  	_ =	swait.ge [sflag:s9], $0x4000  }
0x82: {  	[sflag:s9] =	ssyncset.done $0x0  }
0x83: {  	s18 =	sadd.s32 $0x480, s17;
	[sflag:s9] =	ssyncadd.s32 $0xFFFFC000  }
0x84: {  	[tilespmem:s26], [sflag:$0x5] =	stream.indirect.gather [hbm4b:s3+s22], $0x80, s18, s22, $0xb8;
	[tilespmem:$0x15900] =	vst v63  }
0x85: {  	_ =	swait.ge [sflag:s30], $0x4000  }
0x86: {  	[sflag:s30] =	ssyncset.done $0x0  }
0x87: {  	[sflag:s30] =	ssyncadd.s32 $0xFFFFC000  }
0x88: {  	[hbm4b:s15+s2] =	stream.linear.scatter [tilespmem:s31], [sflag:$0x9], $0x4000, $0x38;
	[tilespmem:$0x15900] =	vst v63  }
0x89: {  	_ =	swait.ge [sflag:s0], $0x4000  }
0x8a: {  	[sflag:s0] =	ssyncset.done $0x0  }
.Ltmp0:
0x8b: {  	s17 =	sadd.s32 $0x500, s17;
	[sflag:s0] =	ssyncadd.s32 $0xFFFFC000;
	(pc) =	sbr.rel @p0 .LBB2_2-.Ltmp0, $4  }
0x8c: {  	[tilespmem:s23], [sflag:$0x1] =	stream.indirect.gather [hbm4b:s3+s22], $0x80, s17, s22, $0xb8;
	[tilespmem:$0x15900] =	vst v63  }
0x8d: {  	s11 =	sadd.s32 $0x2800, s11;
	_ =	swait.ge [sflag:s5], $0x4000  }
0x8e: {  	s13 =	sadd.s32 $0x2800, s13;
	s12 =	sadd.s32 $0x2800, s12;
	[sflag:s5] =	ssyncset.done $0x0  }
0x8f: {  	s14 =	sadd.s32 $0x2800, s14;
	s15 =	sadd.s32 $0x2800, s15;
	[sflag:s5] =	ssyncadd.s32 $0xFFFFC000  }
0x90: {  	[hbm4b:s16+s2] =	stream.linear.scatter [tilespmem:s26], [sflag:$0xA], $0x4000, $0x38;
	[tilespmem:$0x15900] =	vst v63  }
0x91: {  	_ =	swait.ge [sflag:s6], $0x4000  }
0x92: {  	[sflag:s6] =	ssyncset.done $0x0  }
0x93: {  	s4 =	simm.s32 $0x1700;
	[sflag:s6] =	ssyncadd.s32 $0xFFFFC000  }
0x94: {  	[tilespmem:s24], [sflag:$0x2] =	stream.indirect.gather [hbm4b:s3+s22], $0x80, s4, s22, $0xb8;
	[tilespmem:$0x15900] =	vst v63  }
0x95: {  	_ =	swait.ge [sflag:s25], $0x4000  }
0x96: {  	[sflag:s25] =	ssyncset.done $0x0  }
0x97: {  	s18 =	rddreg [dreg:$0x9];
	[sflag:s25] =	ssyncadd.s32 $0xFFFFC000  }
0x98: {  	[hbm4b:s18+s2] =	stream.linear.scatter [tilespmem:s23], [sflag:$0x6], $0x4000, $0x38;
	[tilespmem:$0x15900] =	vst v63  }
0x99: {  	_ =	swait.ge [sflag:s7], $0x4000  }
0x9a: {  	[sflag:s7] =	ssyncset.done $0x0  }
0x9b: {  	s11 =	simm.s32 $0x1780;
	[sflag:s7] =	ssyncadd.s32 $0xFFFFC000  }
0x9c: {  	[tilespmem:s28], [sflag:$0x3] =	stream.indirect.gather [hbm4b:s3+s22], $0x80, s11, s22, $0xb8;
	[tilespmem:$0x15900] =	vst v63  }
0x9d: {  	_ =	swait.ge [sflag:s29], $0x4000  }
0x9e: {  	[sflag:s29] =	ssyncset.done $0x0  }
0x9f: {  	s12 =	rddreg [dreg:$0xa];
	[sflag:s29] =	ssyncadd.s32 $0xFFFFC000  }
0xa0: {  	[hbm4b:s12+s2] =	stream.linear.scatter [tilespmem:s24], [sflag:$0x7], $0x4000, $0x38;
	[tilespmem:$0x15900] =	vst v63  }
0xa1: {  	_ =	swait.ge [sflag:s8], $0x4000  }
0xa2: {  	[sflag:s8] =	ssyncset.done $0x0  }
0xa3: {  	s13 =	simm.s32 $0x1800;
	[sflag:s8] =	ssyncadd.s32 $0xFFFFC000  }
0xa4: {  	[tilespmem:s31], [sflag:$0x4] =	stream.indirect.gather [hbm4b:s3+s22], $0x80, s13, s22, $0xb8;
	[tilespmem:$0x15900] =	vst v63  }
0xa5: {  	_ =	swait.ge [sflag:s1], $0x4000  }
0xa6: {  	[sflag:s1] =	ssyncset.done $0x0  }
0xa7: {  	s14 =	rddreg [dreg:$0xb];
	[sflag:s1] =	ssyncadd.s32 $0xFFFFC000  }
0xa8: {  	[hbm4b:s14+s2] =	stream.linear.scatter [tilespmem:s28], [sflag:$0x8], $0x4000, $0x38;
	[tilespmem:$0x15900] =	vst v63  }
0xa9: {  	_ =	swait.ge [sflag:s9], $0x4000  }
0xaa: {  	[sflag:s9] =	ssyncset.done $0x0  }
0xab: {  	s15 =	simm.s32 $0x1880;
	[sflag:s9] =	ssyncadd.s32 $0xFFFFC000  }
0xac: {  	[tilespmem:s26], [sflag:$0x5] =	stream.indirect.gather [hbm4b:s3+s22], $0x80, s15, s22, $0xb8;
	[tilespmem:$0x15900] =	vst v63  }
0xad: {  	_ =	swait.ge [sflag:s30], $0x4000  }
0xae: {  	[sflag:s30] =	ssyncset.done $0x0  }
0xaf: {  	s16 =	rddreg [dreg:$0xc];
	[sflag:s30] =	ssyncadd.s32 $0xFFFFC000  }
0xb0: {  	[hbm4b:s16+s2] =	stream.linear.scatter [tilespmem:s31], [sflag:$0x9], $0x4000, $0x38;
	[tilespmem:$0x15900] =	vst v63  }
0xb1: {  	_ =	swait.ge [sflag:s0], $0x4000  }
0xb2: {  	[sflag:s0] =	ssyncset.done $0x0  }
0xb3: {  	[sflag:s0] =	ssyncadd.s32 $0xFFFFC000  }
0xb4: {  	_ =	swait.ge [sflag:s5], $0x4000  }
0xb5: {  	[sflag:s5] =	ssyncset.done $0x0  }
0xb6: {  	s17 =	rddreg [dreg:$0xd];
	[sflag:s5] =	ssyncadd.s32 $0xFFFFC000  }
0xb7: {  	[hbm4b:s17+s2] =	stream.linear.scatter [tilespmem:s26], [sflag:$0xA], $0x4000, $0x38;
	[tilespmem:$0x15900] =	vst v63  }
0xb8: {  	_ =	swait.ge [sflag:s6], $0x4000  }
0xb9: {  	[sflag:s6] =	ssyncset.done $0x0  }
0xba: {  	[sflag:s6] =	ssyncadd.s32 $0xFFFFC000  }
0xbb: {  	_ =	swait.ge [sflag:s7], $0x4000  }
0xbc: {  	[sflag:s7] =	ssyncset.done $0x0  }
0xbd: {  	[sflag:s7] =	ssyncadd.s32 $0xFFFFC000  }
0xbe: {  	_ =	swait.ge [sflag:s8], $0x4000  }
0xbf: {  	[sflag:s8] =	ssyncset.done $0x0  }
0xc0: {  	[sflag:s8] =	ssyncadd.s32 $0xFFFFC000  }
0xc1: {  	_ =	swait.ge [sflag:s9], $0x4000  }
0xc2: {  	s10 =	sadd.s32 $0x1, s10;
	s18 =	rddreg [dreg:$0xe]  }
0xc3: {  	p0 =	sne.s32 s10, s18  }
.Ltmp1:
0xc4: {  	_ = 	snop;
	(pc) =	sbr.rel @p0 .LBB2_1-.Ltmp1, $3  }
0xc5: {  	_ =	sdelay $0x1  }
0xc6: {  	[sflag:s9] =	ssyncset.done $0x0  }
0xc7: {  	[sflag:s9] =	ssyncadd.s32 $0xFFFFC000  }
0xc8: {  	_ =	sfence.sel $0x180000  }
0xc9: {  	[bflag:$0x0] =	sbarrier.arrive $0xFFFF  }
0xca: {  	_ =	strace $0x90000047  }
0xcb: {  	s0 =	stileid.u32;
	[bflag:$0x2] =	sbarrier.arrive $0xFFFF  }
0xcc: {  	p0 =	sne.s32 s0, $0x0;
	s0 =	rddreg [dreg:$0x2]  }
0xcd: {  	s0 =	sadd.s32 @!p0 $0x100000, s0  }
0xce: {  	[sflag:s0] =	ssyncadd.tile.s32 @!p0 $0x1;
	_ =	shalt  }
.Lfunc_end2:
_tile_overlayer_lowered:
.L_overlay_start_2:
0xcf: {  	(tag) =	ssettag $0x2  }
0xd0: {  	s0 =	rddreg [dreg:$0x0];
	s2 =	stileid.u32  }
0xd1: {  	s1 =	rddreg [dreg:$0x1];
	p0 =	sne.s32 s2, $0x0  }
0xd2: {  	s3 =	rddreg [dreg:$0x2];
	[bflag:$0x3] =	sbarrier.arrive $0xFFFF;
	s2 =	simm.s32 @!p0 $0x1C0B  }
0xd3: {  	[timem:s3], [sflag:s2] =	dma.local @!p0 [hbm:s0], s1  }
0xd4: {  	s0 =	simm.s32 @!p0 $0xB  }
0xd5: {  	_ =	swait.ge @!p0 [sflag:s0], s1  }
0xd6: {  	s1 =	ssub.s32 @!p0 $0x0, s1;
	[sflag:s0] =	ssyncset.done @!p0 $0x0  }
0xd7: {  	[sflag:s0] =	ssyncadd.s32 @!p0 s1  }
0xd8: {  	[bflag:$0x3] =	sbarrier.arrive $0xFFFF  }
0xd9: {  	_ =	shalt  }

</sc_bundles>
